<compile_context>
chip_gen: v7x
topology: tpu7x:2x2x1
jax: 0.10.2.dev20260603
libtpu: 0.0.44.dev20260713+nightly
codegen_flags: <defaults>
</compile_context>

<pallas_src>
import functools

import jax
import jax.numpy as jnp
from jax import lax
from jax.experimental import pallas as pl
from jax.experimental.pallas import tpu as pltpu
from jax.experimental.pallas import tpu_sc as plsc

_B = 16384
_V = 1000
_D = 128
_NC = 2
_NS = 16
_NW = _NC * _NS
_BPW = _B // _NW

_CHUNKS = (16, 48, 64, 64, 64, 64, 64, 64, 48, 16)
_OFFS = tuple(sum(_CHUNKS[:i]) for i in range(len(_CHUNKS)))

_mesh = plsc.VectorSubcoreMesh(core_axis_name="c", subcore_axis_name="s")


@functools.partial(
    pl.kernel,
    mesh=_mesh,
    out_type=jax.ShapeDtypeStruct((_B, _D), jnp.float32),
    scratch_types=[
        pltpu.VMEM((_BPW,), jnp.int32),
        pltpu.VMEM((_BPW, _D), jnp.float32),
        pltpu.VMEM_SHARED((_V, _D), jnp.float32),
        pltpu.SemaphoreType.DMA((len(_CHUNKS),)),
        pltpu.SemaphoreType.DMA,
    ],
)
def _gather_kernel(t_hbm, table_hbm, out_hbm, idx_v, rows_v, table_sh, gsems, ssem):
    cid = lax.axis_index("c")
    sid = lax.axis_index("s")
    wid = sid * _NC + cid
    base = pl.multiple_of(wid * _BPW, _BPW)
    idx_copy = pltpu.async_copy(t_hbm.at[pl.ds(base, _BPW)], idx_v, ssem)
    @pl.when(sid < 15)
    def _():
        off = pl.multiple_of(sid * 64, 8)
        pltpu.sync_copy(table_hbm.at[pl.ds(off, 64)], table_sh.at[pl.ds(off, 64)])

    @pl.when(sid == 15)
    def _():
        pltpu.sync_copy(table_hbm.at[pl.ds(960, 40)], table_sh.at[pl.ds(960, 40)])

    plsc.subcore_barrier()
    idx_copy.wait()
    gathers = [
        pltpu.async_copy(
            table_sh.at[idx_v.at[pl.ds(_OFFS[j], _CHUNKS[j])]],
            rows_v.at[pl.ds(_OFFS[j], _CHUNKS[j])],
            gsems.at[j],
        )
        for j in range(len(_CHUNKS))
    ]
    stores = []
    for j in range(len(_CHUNKS)):
        gathers[j].wait()
        stores.append(
            pltpu.async_copy(
                rows_v.at[pl.ds(_OFFS[j], _CHUNKS[j])],
                out_hbm.at[pl.ds(base + _OFFS[j], _CHUNKS[j])],
                ssem,
            )
        )
    for s in stores:
        s.wait()


def kernel(t, embed_weight):
    return _gather_kernel(t.astype(jnp.int32), embed_weight)

# --- scband reference (transcript-rebuilt; emitter-appended) ---
"""Pipeline reference for scband-time-embedding-687194767528 (READ-ONLY COPY).

The authoritative reference and input builder live on the scoring server;
editing this copy changes nothing except your own understanding.
"""

import jax, jax.numpy as jnp
import numpy as np

NUM_TIMESTEPS = 1000
COND_DIM = 128
BATCH = 16384

def setup_inputs(seed: int = 0) -> dict:
    key = jax.random.key(seed)
    k_t, k_w = jax.random.split(key)
    t = jax.random.randint(k_t, (BATCH,), 0, NUM_TIMESTEPS, dtype=jnp.int64 if jax.config.jax_enable_x64 else jnp.int32)
    embed_weight = jax.random.normal(k_w, (NUM_TIMESTEPS, COND_DIM), dtype=jnp.float32)
    return {"t": t, "embed_weight": embed_weight}

def reference(t, embed_weight):
    # nn.Embedding lookup: table[t]
    t = t.astype(jnp.int32)
    return jnp.take(embed_weight, t, axis=0)

if __name__ == "__main__":
    import jax
    _d = setup_inputs()
    print(jax.jit(kernel)(*tuple(_d.values())))

</pallas_src>

<mosaic_0001>
#map = affine_map<(d0, d1) -> (0)>
#map1 = affine_map<(d0, d1) -> (0, 0)>
module attributes {stable_mosaic.version = 14 : i64} {
  func.func @_gather_kernel(%arg0: i32, %arg1: i32, %arg2: memref<16384xi32, #tpu.memory_space<hbm>>, %arg3: memref<1000x128xf32, #tpu.memory_space<hbm>>, %arg4: memref<16384x128xf32, #tpu.memory_space<hbm>>, %arg5: memref<512xi32, #tpu.memory_space<vmem>>, %arg6: memref<512x128xf32, #tpu.memory_space<vmem>>, %arg7: memref<1000x128xf32, #tpu.memory_space<vmem_shared>>, %arg8: memref<10x!tpu.dma_semaphore, #tpu.memory_space<semaphore_mem>>, %arg9: memref<!tpu.dma_semaphore, #tpu.memory_space<semaphore_mem>>) attributes {dimension_semantics = [#tpu.dimension_semantics<core_parallel>, #tpu.dimension_semantics<subcore_parallel>], iteration_bounds = array<i64: 2, 16>, scalar_prefetch = 0 : i64, scratch_operands = 5 : i64, tpu.core_type = #tpu.core_type<sc_vector_subcore>, window_params = [{transform_indices = #map}, {transform_indices = #map1}, {transform_indices = #map1}]} {
    %mul3A = arith.constant 2 : i32
    %mul3A_0 = arith.muli %arg1, %mul3A : i32
    %add3A = arith.addi %mul3A_0, %arg0 : i32
    %mul3A_1 = arith.constant 512 : i32
    %mul3A_2 = arith.muli %add3A, %mul3A_1 : i32
    %multiple_of3A = tpu.assume_multiple %mul3A_2, 512 : i32
    %dma_start3A = tpu.memref_slice %arg2[%multiple_of3A] : memref<16384xi32, #tpu.memory_space<hbm>> -> memref<512xi32, #tpu.memory_space<hbm>>
    %dma_start3A_3 = tpu.memref_slice %arg2[%multiple_of3A] : memref<16384xi32, #tpu.memory_space<hbm>> -> memref<512xi32, #tpu.memory_space<hbm>>
    tpu.enqueue_dma source(%dma_start3A_3 : memref<512xi32, #tpu.memory_space<hbm>>) target(%arg5 : memref<512xi32, #tpu.memory_space<vmem>>) target_semaphore(%arg9 : memref<!tpu.dma_semaphore, #tpu.memory_space<semaphore_mem>>)
    %lt3A = arith.constant 15 : i32
    %lt3A_4 = arith.cmpi slt, %arg1, %lt3A : i32
    %convert_element_type3A = arith.extui %lt3A_4 : i1 to i32
    %cond3A = arith.constant 0 : i32
    %cond3A_5 = arith.cmpi ne, %convert_element_type3A, %cond3A : i32
    scf.if %cond3A_5 {
      %mul3A_451 = arith.constant 64 : i32
      %mul3A_452 = arith.muli %arg1, %mul3A_451 : i32
      %multiple_of3A_453 = tpu.assume_multiple %mul3A_452, 8 : i32
      "tpu.region"() ({
        %run_scoped3A = tpu.sem_alloc : memref<!tpu.dma_semaphore, #tpu.memory_space<semaphore_mem>>
        %dma_start3A_454 = arith.constant 0 : i32
        %dma_start3A_455 = tpu.memref_slice %arg7[%multiple_of3A_453, %dma_start3A_454] : memref<1000x128xf32, #tpu.memory_space<vmem_shared>> -> memref<64x128xf32, #tpu.memory_space<vmem_shared>>
        %dma_start3A_456 = arith.constant 0 : i32
        %dma_start3A_457 = tpu.memref_slice %arg3[%multiple_of3A_453, %dma_start3A_456] : memref<1000x128xf32, #tpu.memory_space<hbm>> -> memref<64x128xf32, #tpu.memory_space<hbm>>
        tpu.enqueue_dma source(%dma_start3A_457 : memref<64x128xf32, #tpu.memory_space<hbm>>) target(%dma_start3A_455 : memref<64x128xf32, #tpu.memory_space<vmem_shared>>) target_semaphore(%run_scoped3A : memref<!tpu.dma_semaphore, #tpu.memory_space<semaphore_mem>>)
        %dma_wait3A_458 = arith.constant 0 : i32
        %dma_wait3A_459 = tpu.memref_slice %arg7[%multiple_of3A_453, %dma_wait3A_458] : memref<1000x128xf32, #tpu.memory_space<vmem_shared>> -> memref<64x128xf32, #tpu.memory_space<vmem_shared>>
        %dma_wait3A_460 = arith.constant 0 : i32
        %dma_wait3A_461 = tpu.memref_slice %arg3[%multiple_of3A_453, %dma_wait3A_460] : memref<1000x128xf32, #tpu.memory_space<hbm>> -> memref<64x128xf32, #tpu.memory_space<hbm>>
        tpu.wait_dma2 semaphore(%run_scoped3A : memref<!tpu.dma_semaphore, #tpu.memory_space<semaphore_mem>>) src(%dma_wait3A_461 : memref<64x128xf32, #tpu.memory_space<hbm>>) dst(%dma_wait3A_459 : memref<64x128xf32, #tpu.memory_space<vmem_shared>>)
        tpu.yield
      }) : () -> ()
    } else {
    }
    %eq3A = arith.constant 15 : i32
    %eq3A_6 = arith.cmpi eq, %arg1, %eq3A : i32
    %convert_element_type3A_7 = arith.extui %eq3A_6 : i1 to i32
    %cond3A_8 = arith.constant 0 : i32
    %cond3A_9 = arith.cmpi ne, %convert_element_type3A_7, %cond3A_8 : i32
    scf.if %cond3A_9 {
      "tpu.region"() ({
        %run_scoped3A = tpu.sem_alloc : memref<!tpu.dma_semaphore, #tpu.memory_space<semaphore_mem>>
        %dma_start3A_451 = arith.constant 960 : i32
        %dma_start3A_452 = arith.constant 0 : i32
        %dma_start3A_453 = tpu.memref_slice %arg7[%dma_start3A_451, %dma_start3A_452] : memref<1000x128xf32, #tpu.memory_space<vmem_shared>> -> memref<40x128xf32, #tpu.memory_space<vmem_shared>>
        %dma_start3A_454 = arith.constant 960 : i32
        %dma_start3A_455 = arith.constant 0 : i32
        %dma_start3A_456 = tpu.memref_slice %arg3[%dma_start3A_454, %dma_start3A_455] : memref<1000x128xf32, #tpu.memory_space<hbm>> -> memref<40x128xf32, #tpu.memory_space<hbm>>
        tpu.enqueue_dma source(%dma_start3A_456 : memref<40x128xf32, #tpu.memory_space<hbm>>) target(%dma_start3A_453 : memref<40x128xf32, #tpu.memory_space<vmem_shared>>) target_semaphore(%run_scoped3A : memref<!tpu.dma_semaphore, #tpu.memory_space<semaphore_mem>>)
        %dma_wait3A_457 = arith.constant 960 : i32
        %dma_wait3A_458 = arith.constant 0 : i32
        %dma_wait3A_459 = tpu.memref_slice %arg7[%dma_wait3A_457, %dma_wait3A_458] : memref<1000x128xf32, #tpu.memory_space<vmem_shared>> -> memref<40x128xf32, #tpu.memory_space<vmem_shared>>
        %dma_wait3A_460 = arith.constant 960 : i32
        %dma_wait3A_461 = arith.constant 0 : i32
        %dma_wait3A_462 = tpu.memref_slice %arg3[%dma_wait3A_460, %dma_wait3A_461] : memref<1000x128xf32, #tpu.memory_space<hbm>> -> memref<40x128xf32, #tpu.memory_space<hbm>>
        tpu.wait_dma2 semaphore(%run_scoped3A : memref<!tpu.dma_semaphore, #tpu.memory_space<semaphore_mem>>) src(%dma_wait3A_462 : memref<40x128xf32, #tpu.memory_space<hbm>>) dst(%dma_wait3A_459 : memref<40x128xf32, #tpu.memory_space<vmem_shared>>)
        tpu.yield
      }) : () -> ()
    } else {
    }
    %barrier3A = arith.constant 0 : index
    tpu.barrier barrier_id(%barrier3A)
    %dma_wait3A = tpu.memref_slice %arg2[%multiple_of3A] : memref<16384xi32, #tpu.memory_space<hbm>> -> memref<512xi32, #tpu.memory_space<hbm>>
    %dma_wait3A_10 = tpu.memref_slice %arg2[%multiple_of3A] : memref<16384xi32, #tpu.memory_space<hbm>> -> memref<512xi32, #tpu.memory_space<hbm>>
    tpu.wait_dma2 semaphore(%arg9 : memref<!tpu.dma_semaphore, #tpu.memory_space<semaphore_mem>>) src(%dma_wait3A_10 : memref<512xi32, #tpu.memory_space<hbm>>) dst(%arg5 : memref<512xi32, #tpu.memory_space<vmem>>)
    %dma_start3A_11 = arith.constant 0 : i32
    %dma_start3A_12 = arith.constant 0 : i32
    %dma_start3A_13 = arith.constant 0 : i32
    %dma_start3A_14 = tpu.memref_slice %arg6[%dma_start3A_12, %dma_start3A_13] : memref<512x128xf32, #tpu.memory_space<vmem>> -> memref<16x128xf32, #tpu.memory_space<vmem>>
    %dma_start3A_15 = arith.constant 0 : i32
    %dma_start3A_16 = tpu.memref_slice %arg5[%dma_start3A_15] : memref<512xi32, #tpu.memory_space<vmem>> -> memref<16xi32, #tpu.memory_space<vmem>>
    %dma_start3A_17 = arith.constant 0 : i32
    %dma_start3A_18 = arith.constant 0 : i32
    %dma_start3A_19 = tpu.memref_slice %arg7[%dma_start3A_17, %dma_start3A_18] : memref<1000x128xf32, #tpu.memory_space<vmem_shared>> -> memref<1000x128xf32, #tpu.memory_space<vmem_shared>>
    %dma_start3A_20 = tpu.memref_slice %arg8[%dma_start3A_11] : memref<10x!tpu.dma_semaphore, #tpu.memory_space<semaphore_mem>> -> memref<1x!tpu.dma_semaphore, #tpu.memory_space<semaphore_mem>>
    %dma_start3A_21 = tpu.memref_squeeze %dma_start3A_20 : memref<1x!tpu.dma_semaphore, #tpu.memory_space<semaphore_mem>> -> memref<!tpu.dma_semaphore, #tpu.memory_space<semaphore_mem>>
    tpu.enqueue_indirect_dma source(%dma_start3A_19 : memref<1000x128xf32, #tpu.memory_space<vmem_shared>>) target(%dma_start3A_14 : memref<16x128xf32, #tpu.memory_space<vmem>>) offsets(%dma_start3A_16 : memref<16xi32, #tpu.memory_space<vmem>>) semaphore(%dma_start3A_21 : memref<!tpu.dma_semaphore, #tpu.memory_space<semaphore_mem>>)
    %dma_start3A_22 = arith.constant 1 : i32
    %dma_start3A_23 = arith.constant 16 : i32
    %dma_start3A_24 = arith.constant 0 : i32
    %dma_start3A_25 = tpu.memref_slice %arg6[%dma_start3A_23, %dma_start3A_24] : memref<512x128xf32, #tpu.memory_space<vmem>> -> memref<48x128xf32, #tpu.memory_space<vmem>>
    %dma_start3A_26 = arith.constant 16 : i32
    %dma_start3A_27 = tpu.memref_slice %arg5[%dma_start3A_26] : memref<512xi32, #tpu.memory_space<vmem>> -> memref<48xi32, #tpu.memory_space<vmem>>
    %dma_start3A_28 = arith.constant 0 : i32
    %dma_start3A_29 = arith.constant 0 : i32
    %dma_start3A_30 = tpu.memref_slice %arg7[%dma_start3A_28, %dma_start3A_29] : memref<1000x128xf32, #tpu.memory_space<vmem_shared>> -> memref<1000x128xf32, #tpu.memory_space<vmem_shared>>
    %dma_start3A_31 = tpu.memref_slice %arg8[%dma_start3A_22] : memref<10x!tpu.dma_semaphore, #tpu.memory_space<semaphore_mem>> -> memref<1x!tpu.dma_semaphore, #tpu.memory_space<semaphore_mem>>
    %dma_start3A_32 = tpu.memref_squeeze %dma_start3A_31 : memref<1x!tpu.dma_semaphore, #tpu.memory_space<semaphore_mem>> -> memref<!tpu.dma_semaphore, #tpu.memory_space<semaphore_mem>>
    tpu.enqueue_indirect_dma source(%dma_start3A_30 : memref<1000x128xf32, #tpu.memory_space<vmem_shared>>) target(%dma_start3A_25 : memref<48x128xf32, #tpu.memory_space<vmem>>) offsets(%dma_start3A_27 : memref<48xi32, #tpu.memory_space<vmem>>) semaphore(%dma_start3A_32 : memref<!tpu.dma_semaphore, #tpu.memory_space<semaphore_mem>>)
    %dma_start3A_33 = arith.constant 2 : i32
    %dma_start3A_34 = arith.constant 64 : i32
    %dma_start3A_35 = arith.constant 0 : i32
    %dma_start3A_36 = tpu.memref_slice %arg6[%dma_start3A_34, %dma_start3A_35] : memref<512x128xf32, #tpu.memory_space<vmem>> -> memref<64x128xf32, #tpu.memory_space<vmem>>
    %dma_start3A_37 = arith.constant 64 : i32
    %dma_start3A_38 = tpu.memref_slice %arg5[%dma_start3A_37] : memref<512xi32, #tpu.memory_space<vmem>> -> memref<64xi32, #tpu.memory_space<vmem>>
    %dma_start3A_39 = arith.constant 0 : i32
    %dma_start3A_40 = arith.constant 0 : i32
    %dma_start3A_41 = tpu.memref_slice %arg7[%dma_start3A_39, %dma_start3A_40] : memref<1000x128xf32, #tpu.memory_space<vmem_shared>> -> memref<1000x128xf32, #tpu.memory_space<vmem_shared>>
    %dma_start3A_42 = tpu.memref_slice %arg8[%dma_start3A_33] : memref<10x!tpu.dma_semaphore, #tpu.memory_space<semaphore_mem>> -> memref<1x!tpu.dma_semaphore, #tpu.memory_space<semaphore_mem>>
    %dma_start3A_43 = tpu.memref_squeeze %dma_start3A_42 : memref<1x!tpu.dma_semaphore, #tpu.memory_space<semaphore_mem>> -> memref<!tpu.dma_semaphore, #tpu.memory_space<semaphore_mem>>
    tpu.enqueue_indirect_dma source(%dma_start3A_41 : memref<1000x128xf32, #tpu.memory_space<vmem_shared>>) target(%dma_start3A_36 : memref<64x128xf32, #tpu.memory_space<vmem>>) offsets(%dma_start3A_38 : memref<64xi32, #tpu.memory_space<vmem>>) semaphore(%dma_start3A_43 : memref<!tpu.dma_semaphore, #tpu.memory_space<semaphore_mem>>)
    %dma_start3A_44 = arith.constant 3 : i32
    %dma_start3A_45 = arith.constant 128 : i32
    %dma_start3A_46 = arith.constant 0 : i32
    %dma_start3A_47 = tpu.memref_slice %arg6[%dma_start3A_45, %dma_start3A_46] : memref<512x128xf32, #tpu.memory_space<vmem>> -> memref<64x128xf32, #tpu.memory_space<vmem>>
    %dma_start3A_48 = arith.constant 128 : i32
    %dma_start3A_49 = tpu.memref_slice %arg5[%dma_start3A_48] : memref<512xi32, #tpu.memory_space<vmem>> -> memref<64xi32, #tpu.memory_space<vmem>>
    %dma_start3A_50 = arith.constant 0 : i32
    %dma_start3A_51 = arith.constant 0 : i32
    %dma_start3A_52 = tpu.memref_slice %arg7[%dma_start3A_50, %dma_start3A_51] : memref<1000x128xf32, #tpu.memory_space<vmem_shared>> -> memref<1000x128xf32, #tpu.memory_space<vmem_shared>>
    %dma_start3A_53 = tpu.memref_slice %arg8[%dma_start3A_44] : memref<10x!tpu.dma_semaphore, #tpu.memory_space<semaphore_mem>> -> memref<1x!tpu.dma_semaphore, #tpu.memory_space<semaphore_mem>>
    %dma_start3A_54 = tpu.memref_squeeze %dma_start3A_53 : memref<1x!tpu.dma_semaphore, #tpu.memory_space<semaphore_mem>> -> memref<!tpu.dma_semaphore, #tpu.memory_space<semaphore_mem>>
    tpu.enqueue_indirect_dma source(%dma_start3A_52 : memref<1000x128xf32, #tpu.memory_space<vmem_shared>>) target(%dma_start3A_47 : memref<64x128xf32, #tpu.memory_space<vmem>>) offsets(%dma_start3A_49 : memref<64xi32, #tpu.memory_space<vmem>>) semaphore(%dma_start3A_54 : memref<!tpu.dma_semaphore, #tpu.memory_space<semaphore_mem>>)
    %dma_start3A_55 = arith.constant 4 : i32
    %dma_start3A_56 = arith.constant 192 : i32
    %dma_start3A_57 = arith.constant 0 : i32
    %dma_start3A_58 = tpu.memref_slice %arg6[%dma_start3A_56, %dma_start3A_57] : memref<512x128xf32, #tpu.memory_space<vmem>> -> memref<64x128xf32, #tpu.memory_space<vmem>>
    %dma_start3A_59 = arith.constant 192 : i32
    %dma_start3A_60 = tpu.memref_slice %arg5[%dma_start3A_59] : memref<512xi32, #tpu.memory_space<vmem>> -> memref<64xi32, #tpu.memory_space<vmem>>
    %dma_start3A_61 = arith.constant 0 : i32
    %dma_start3A_62 = arith.constant 0 : i32
    %dma_start3A_63 = tpu.memref_slice %arg7[%dma_start3A_61, %dma_start3A_62] : memref<1000x128xf32, #tpu.memory_space<vmem_shared>> -> memref<1000x128xf32, #tpu.memory_space<vmem_shared>>
    %dma_start3A_64 = tpu.memref_slice %arg8[%dma_start3A_55] : memref<10x!tpu.dma_semaphore, #tpu.memory_space<semaphore_mem>> -> memref<1x!tpu.dma_semaphore, #tpu.memory_space<semaphore_mem>>
    %dma_start3A_65 = tpu.memref_squeeze %dma_start3A_64 : memref<1x!tpu.dma_semaphore, #tpu.memory_space<semaphore_mem>> -> memref<!tpu.dma_semaphore, #tpu.memory_space<semaphore_mem>>
    tpu.enqueue_indirect_dma source(%dma_start3A_63 : memref<1000x128xf32, #tpu.memory_space<vmem_shared>>) target(%dma_start3A_58 : memref<64x128xf32, #tpu.memory_space<vmem>>) offsets(%dma_start3A_60 : memref<64xi32, #tpu.memory_space<vmem>>) semaphore(%dma_start3A_65 : memref<!tpu.dma_semaphore, #tpu.memory_space<semaphore_mem>>)
    %dma_start3A_66 = arith.constant 5 : i32
    %dma_start3A_67 = arith.constant 256 : i32
    %dma_start3A_68 = arith.constant 0 : i32
    %dma_start3A_69 = tpu.memref_slice %arg6[%dma_start3A_67, %dma_start3A_68] : memref<512x128xf32, #tpu.memory_space<vmem>> -> memref<64x128xf32, #tpu.memory_space<vmem>>
    %dma_start3A_70 = arith.constant 256 : i32
    %dma_start3A_71 = tpu.memref_slice %arg5[%dma_start3A_70] : memref<512xi32, #tpu.memory_space<vmem>> -> memref<64xi32, #tpu.memory_space<vmem>>
    %dma_start3A_72 = arith.constant 0 : i32
    %dma_start3A_73 = arith.constant 0 : i32
    %dma_start3A_74 = tpu.memref_slice %arg7[%dma_start3A_72, %dma_start3A_73] : memref<1000x128xf32, #tpu.memory_space<vmem_shared>> -> memref<1000x128xf32, #tpu.memory_space<vmem_shared>>
    %dma_start3A_75 = tpu.memref_slice %arg8[%dma_start3A_66] : memref<10x!tpu.dma_semaphore, #tpu.memory_space<semaphore_mem>> -> memref<1x!tpu.dma_semaphore, #tpu.memory_space<semaphore_mem>>
    %dma_start3A_76 = tpu.memref_squeeze %dma_start3A_75 : memref<1x!tpu.dma_semaphore, #tpu.memory_space<semaphore_mem>> -> memref<!tpu.dma_semaphore, #tpu.memory_space<semaphore_mem>>
    tpu.enqueue_indirect_dma source(%dma_start3A_74 : memref<1000x128xf32, #tpu.memory_space<vmem_shared>>) target(%dma_start3A_69 : memref<64x128xf32, #tpu.memory_space<vmem>>) offsets(%dma_start3A_71 : memref<64xi32, #tpu.memory_space<vmem>>) semaphore(%dma_start3A_76 : memref<!tpu.dma_semaphore, #tpu.memory_space<semaphore_mem>>)
    %dma_start3A_77 = arith.constant 6 : i32
    %dma_start3A_78 = arith.constant 320 : i32
    %dma_start3A_79 = arith.constant 0 : i32
    %dma_start3A_80 = tpu.memref_slice %arg6[%dma_start3A_78, %dma_start3A_79] : memref<512x128xf32, #tpu.memory_space<vmem>> -> memref<64x128xf32, #tpu.memory_space<vmem>>
    %dma_start3A_81 = arith.constant 320 : i32
    %dma_start3A_82 = tpu.memref_slice %arg5[%dma_start3A_81] : memref<512xi32, #tpu.memory_space<vmem>> -> memref<64xi32, #tpu.memory_space<vmem>>
    %dma_start3A_83 = arith.constant 0 : i32
    %dma_start3A_84 = arith.constant 0 : i32
    %dma_start3A_85 = tpu.memref_slice %arg7[%dma_start3A_83, %dma_start3A_84] : memref<1000x128xf32, #tpu.memory_space<vmem_shared>> -> memref<1000x128xf32, #tpu.memory_space<vmem_shared>>
    %dma_start3A_86 = tpu.memref_slice %arg8[%dma_start3A_77] : memref<10x!tpu.dma_semaphore, #tpu.memory_space<semaphore_mem>> -> memref<1x!tpu.dma_semaphore, #tpu.memory_space<semaphore_mem>>
    %dma_start3A_87 = tpu.memref_squeeze %dma_start3A_86 : memref<1x!tpu.dma_semaphore, #tpu.memory_space<semaphore_mem>> -> memref<!tpu.dma_semaphore, #tpu.memory_space<semaphore_mem>>
    tpu.enqueue_indirect_dma source(%dma_start3A_85 : memref<1000x128xf32, #tpu.memory_space<vmem_shared>>) target(%dma_start3A_80 : memref<64x128xf32, #tpu.memory_space<vmem>>) offsets(%dma_start3A_82 : memref<64xi32, #tpu.memory_space<vmem>>) semaphore(%dma_start3A_87 : memref<!tpu.dma_semaphore, #tpu.memory_space<semaphore_mem>>)
    %dma_start3A_88 = arith.constant 7 : i32
    %dma_start3A_89 = arith.constant 384 : i32
    %dma_start3A_90 = arith.constant 0 : i32
    %dma_start3A_91 = tpu.memref_slice %arg6[%dma_start3A_89, %dma_start3A_90] : memref<512x128xf32, #tpu.memory_space<vmem>> -> memref<64x128xf32, #tpu.memory_space<vmem>>
    %dma_start3A_92 = arith.constant 384 : i32
    %dma_start3A_93 = tpu.memref_slice %arg5[%dma_start3A_92] : memref<512xi32, #tpu.memory_space<vmem>> -> memref<64xi32, #tpu.memory_space<vmem>>
    %dma_start3A_94 = arith.constant 0 : i32
    %dma_start3A_95 = arith.constant 0 : i32
    %dma_start3A_96 = tpu.memref_slice %arg7[%dma_start3A_94, %dma_start3A_95] : memref<1000x128xf32, #tpu.memory_space<vmem_shared>> -> memref<1000x128xf32, #tpu.memory_space<vmem_shared>>
    %dma_start3A_97 = tpu.memref_slice %arg8[%dma_start3A_88] : memref<10x!tpu.dma_semaphore, #tpu.memory_space<semaphore_mem>> -> memref<1x!tpu.dma_semaphore, #tpu.memory_space<semaphore_mem>>
    %dma_start3A_98 = tpu.memref_squeeze %dma_start3A_97 : memref<1x!tpu.dma_semaphore, #tpu.memory_space<semaphore_mem>> -> memref<!tpu.dma_semaphore, #tpu.memory_space<semaphore_mem>>
    tpu.enqueue_indirect_dma source(%dma_start3A_96 : memref<1000x128xf32, #tpu.memory_space<vmem_shared>>) target(%dma_start3A_91 : memref<64x128xf32, #tpu.memory_space<vmem>>) offsets(%dma_start3A_93 : memref<64xi32, #tpu.memory_space<vmem>>) semaphore(%dma_start3A_98 : memref<!tpu.dma_semaphore, #tpu.memory_space<semaphore_mem>>)
    %dma_start3A_99 = arith.constant 8 : i32
    %dma_start3A_100 = arith.constant 448 : i32
    %dma_start3A_101 = arith.constant 0 : i32
    %dma_start3A_102 = tpu.memref_slice %arg6[%dma_start3A_100, %dma_start3A_101] : memref<512x128xf32, #tpu.memory_space<vmem>> -> memref<48x128xf32, #tpu.memory_space<vmem>>
    %dma_start3A_103 = arith.constant 448 : i32
    %dma_start3A_104 = tpu.memref_slice %arg5[%dma_start3A_103] : memref<512xi32, #tpu.memory_space<vmem>> -> memref<48xi32, #tpu.memory_space<vmem>>
    %dma_start3A_105 = arith.constant 0 : i32
    %dma_start3A_106 = arith.constant 0 : i32
    %dma_start3A_107 = tpu.memref_slice %arg7[%dma_start3A_105, %dma_start3A_106] : memref<1000x128xf32, #tpu.memory_space<vmem_shared>> -> memref<1000x128xf32, #tpu.memory_space<vmem_shared>>
    %dma_start3A_108 = tpu.memref_slice %arg8[%dma_start3A_99] : memref<10x!tpu.dma_semaphore, #tpu.memory_space<semaphore_mem>> -> memref<1x!tpu.dma_semaphore, #tpu.memory_space<semaphore_mem>>
    %dma_start3A_109 = tpu.memref_squeeze %dma_start3A_108 : memref<1x!tpu.dma_semaphore, #tpu.memory_space<semaphore_mem>> -> memref<!tpu.dma_semaphore, #tpu.memory_space<semaphore_mem>>
    tpu.enqueue_indirect_dma source(%dma_start3A_107 : memref<1000x128xf32, #tpu.memory_space<vmem_shared>>) target(%dma_start3A_102 : memref<48x128xf32, #tpu.memory_space<vmem>>) offsets(%dma_start3A_104 : memref<48xi32, #tpu.memory_space<vmem>>) semaphore(%dma_start3A_109 : memref<!tpu.dma_semaphore, #tpu.memory_space<semaphore_mem>>)
    %dma_start3A_110 = arith.constant 9 : i32
    %dma_start3A_111 = arith.constant 496 : i32
    %dma_start3A_112 = arith.constant 0 : i32
    %dma_start3A_113 = tpu.memref_slice %arg6[%dma_start3A_111, %dma_start3A_112] : memref<512x128xf32, #tpu.memory_space<vmem>> -> memref<16x128xf32, #tpu.memory_space<vmem>>
    %dma_start3A_114 = arith.constant 496 : i32
    %dma_start3A_115 = tpu.memref_slice %arg5[%dma_start3A_114] : memref<512xi32, #tpu.memory_space<vmem>> -> memref<16xi32, #tpu.memory_space<vmem>>
    %dma_start3A_116 = arith.constant 0 : i32
    %dma_start3A_117 = arith.constant 0 : i32
    %dma_start3A_118 = tpu.memref_slice %arg7[%dma_start3A_116, %dma_start3A_117] : memref<1000x128xf32, #tpu.memory_space<vmem_shared>> -> memref<1000x128xf32, #tpu.memory_space<vmem_shared>>
    %dma_start3A_119 = tpu.memref_slice %arg8[%dma_start3A_110] : memref<10x!tpu.dma_semaphore, #tpu.memory_space<semaphore_mem>> -> memref<1x!tpu.dma_semaphore, #tpu.memory_space<semaphore_mem>>
    %dma_start3A_120 = tpu.memref_squeeze %dma_start3A_119 : memref<1x!tpu.dma_semaphore, #tpu.memory_space<semaphore_mem>> -> memref<!tpu.dma_semaphore, #tpu.memory_space<semaphore_mem>>
    tpu.enqueue_indirect_dma source(%dma_start3A_118 : memref<1000x128xf32, #tpu.memory_space<vmem_shared>>) target(%dma_start3A_113 : memref<16x128xf32, #tpu.memory_space<vmem>>) offsets(%dma_start3A_115 : memref<16xi32, #tpu.memory_space<vmem>>) semaphore(%dma_start3A_120 : memref<!tpu.dma_semaphore, #tpu.memory_space<semaphore_mem>>)
    %dma_wait3A_121 = arith.constant 0 : i32
    %dma_wait3A_122 = arith.constant 0 : i32
    %dma_wait3A_123 = arith.constant 0 : i32
    %dma_wait3A_124 = tpu.memref_slice %arg6[%dma_wait3A_122, %dma_wait3A_123] : memref<512x128xf32, #tpu.memory_space<vmem>> -> memref<16x128xf32, #tpu.memory_space<vmem>>
    %dma_wait3A_125 = arith.constant 0 : i32
    %dma_wait3A_126 = tpu.memref_slice %arg5[%dma_wait3A_125] : memref<512xi32, #tpu.memory_space<vmem>> -> memref<16xi32, #tpu.memory_space<vmem>>
    %dma_wait3A_127 = arith.constant 0 : i32
    %dma_wait3A_128 = arith.constant 0 : i32
    %dma_wait3A_129 = tpu.memref_slice %arg7[%dma_wait3A_127, %dma_wait3A_128] : memref<1000x128xf32, #tpu.memory_space<vmem_shared>> -> memref<1000x128xf32, #tpu.memory_space<vmem_shared>>
    %dma_wait3A_130 = tpu.memref_slice %arg8[%dma_wait3A_121] : memref<10x!tpu.dma_semaphore, #tpu.memory_space<semaphore_mem>> -> memref<1x!tpu.dma_semaphore, #tpu.memory_space<semaphore_mem>>
    %dma_wait3A_131 = tpu.memref_squeeze %dma_wait3A_130 : memref<1x!tpu.dma_semaphore, #tpu.memory_space<semaphore_mem>> -> memref<!tpu.dma_semaphore, #tpu.memory_space<semaphore_mem>>
    tpu.wait_indirect_dma semaphore(%dma_wait3A_131 : memref<!tpu.dma_semaphore, #tpu.memory_space<semaphore_mem>>) src(%dma_wait3A_129 : memref<1000x128xf32, #tpu.memory_space<vmem_shared>>) dst(%dma_wait3A_124 : memref<16x128xf32, #tpu.memory_space<vmem>>)
    %add3A_132 = arith.constant 0 : i32
    %add3A_133 = arith.addi %multiple_of3A, %add3A_132 : i32
    %dma_start3A_134 = arith.constant 0 : i32
    %dma_start3A_135 = arith.constant 0 : i32
    %dma_start3A_136 = tpu.memref_slice %arg6[%dma_start3A_134, %dma_start3A_135] : memref<512x128xf32, #tpu.memory_space<vmem>> -> memref<16x128xf32, #tpu.memory_space<vmem>>
    %dma_start3A_137 = arith.constant 0 : i32
    %dma_start3A_138 = tpu.memref_slice %arg4[%add3A_133, %dma_start3A_137] : memref<16384x128xf32, #tpu.memory_space<hbm>> -> memref<16x128xf32, #tpu.memory_space<hbm>>
    %dma_start3A_139 = arith.constant 0 : i32
    %dma_start3A_140 = tpu.memref_slice %arg4[%add3A_133, %dma_start3A_139] : memref<16384x128xf32, #tpu.memory_space<hbm>> -> memref<16x128xf32, #tpu.memory_space<hbm>>
    %dma_start3A_141 = arith.constant 0 : i32
    %dma_start3A_142 = arith.constant 0 : i32
    %dma_start3A_143 = tpu.memref_slice %arg6[%dma_start3A_141, %dma_start3A_142] : memref<512x128xf32, #tpu.memory_space<vmem>> -> memref<16x128xf32, #tpu.memory_space<vmem>>
    tpu.enqueue_dma source(%dma_start3A_143 : memref<16x128xf32, #tpu.memory_space<vmem>>) target(%dma_start3A_140 : memref<16x128xf32, #tpu.memory_space<hbm>>) target_semaphore(%arg9 : memref<!tpu.dma_semaphore, #tpu.memory_space<semaphore_mem>>)
    %dma_wait3A_144 = arith.constant 1 : i32
    %dma_wait3A_145 = arith.constant 16 : i32
    %dma_wait3A_146 = arith.constant 0 : i32
    %dma_wait3A_147 = tpu.memref_slice %arg6[%dma_wait3A_145, %dma_wait3A_146] : memref<512x128xf32, #tpu.memory_space<vmem>> -> memref<48x128xf32, #tpu.memory_space<vmem>>
    %dma_wait3A_148 = arith.constant 16 : i32
    %dma_wait3A_149 = tpu.memref_slice %arg5[%dma_wait3A_148] : memref<512xi32, #tpu.memory_space<vmem>> -> memref<48xi32, #tpu.memory_space<vmem>>
    %dma_wait3A_150 = arith.constant 0 : i32
    %dma_wait3A_151 = arith.constant 0 : i32
    %dma_wait3A_152 = tpu.memref_slice %arg7[%dma_wait3A_150, %dma_wait3A_151] : memref<1000x128xf32, #tpu.memory_space<vmem_shared>> -> memref<1000x128xf32, #tpu.memory_space<vmem_shared>>
    %dma_wait3A_153 = tpu.memref_slice %arg8[%dma_wait3A_144] : memref<10x!tpu.dma_semaphore, #tpu.memory_space<semaphore_mem>> -> memref<1x!tpu.dma_semaphore, #tpu.memory_space<semaphore_mem>>
    %dma_wait3A_154 = tpu.memref_squeeze %dma_wait3A_153 : memref<1x!tpu.dma_semaphore, #tpu.memory_space<semaphore_mem>> -> memref<!tpu.dma_semaphore, #tpu.memory_space<semaphore_mem>>
    tpu.wait_indirect_dma semaphore(%dma_wait3A_154 : memref<!tpu.dma_semaphore, #tpu.memory_space<semaphore_mem>>) src(%dma_wait3A_152 : memref<1000x128xf32, #tpu.memory_space<vmem_shared>>) dst(%dma_wait3A_147 : memref<48x128xf32, #tpu.memory_space<vmem>>)
    %add3A_155 = arith.constant 16 : i32
    %add3A_156 = arith.addi %multiple_of3A, %add3A_155 : i32
    %dma_start3A_157 = arith.constant 16 : i32
    %dma_start3A_158 = arith.constant 0 : i32
    %dma_start3A_159 = tpu.memref_slice %arg6[%dma_start3A_157, %dma_start3A_158] : memref<512x128xf32, #tpu.memory_space<vmem>> -> memref<48x128xf32, #tpu.memory_space<vmem>>
    %dma_start3A_160 = arith.constant 0 : i32
    %dma_start3A_161 = tpu.memref_slice %arg4[%add3A_156, %dma_start3A_160] : memref<16384x128xf32, #tpu.memory_space<hbm>> -> memref<48x128xf32, #tpu.memory_space<hbm>>
    %dma_start3A_162 = arith.constant 0 : i32
    %dma_start3A_163 = tpu.memref_slice %arg4[%add3A_156, %dma_start3A_162] : memref<16384x128xf32, #tpu.memory_space<hbm>> -> memref<48x128xf32, #tpu.memory_space<hbm>>
    %dma_start3A_164 = arith.constant 16 : i32
    %dma_start3A_165 = arith.constant 0 : i32
    %dma_start3A_166 = tpu.memref_slice %arg6[%dma_start3A_164, %dma_start3A_165] : memref<512x128xf32, #tpu.memory_space<vmem>> -> memref<48x128xf32, #tpu.memory_space<vmem>>
    tpu.enqueue_dma source(%dma_start3A_166 : memref<48x128xf32, #tpu.memory_space<vmem>>) target(%dma_start3A_163 : memref<48x128xf32, #tpu.memory_space<hbm>>) target_semaphore(%arg9 : memref<!tpu.dma_semaphore, #tpu.memory_space<semaphore_mem>>)
    %dma_wait3A_167 = arith.constant 2 : i32
    %dma_wait3A_168 = arith.constant 64 : i32
    %dma_wait3A_169 = arith.constant 0 : i32
    %dma_wait3A_170 = tpu.memref_slice %arg6[%dma_wait3A_168, %dma_wait3A_169] : memref<512x128xf32, #tpu.memory_space<vmem>> -> memref<64x128xf32, #tpu.memory_space<vmem>>
    %dma_wait3A_171 = arith.constant 64 : i32
    %dma_wait3A_172 = tpu.memref_slice %arg5[%dma_wait3A_171] : memref<512xi32, #tpu.memory_space<vmem>> -> memref<64xi32, #tpu.memory_space<vmem>>
    %dma_wait3A_173 = arith.constant 0 : i32
    %dma_wait3A_174 = arith.constant 0 : i32
    %dma_wait3A_175 = tpu.memref_slice %arg7[%dma_wait3A_173, %dma_wait3A_174] : memref<1000x128xf32, #tpu.memory_space<vmem_shared>> -> memref<1000x128xf32, #tpu.memory_space<vmem_shared>>
    %dma_wait3A_176 = tpu.memref_slice %arg8[%dma_wait3A_167] : memref<10x!tpu.dma_semaphore, #tpu.memory_space<semaphore_mem>> -> memref<1x!tpu.dma_semaphore, #tpu.memory_space<semaphore_mem>>
    %dma_wait3A_177 = tpu.memref_squeeze %dma_wait3A_176 : memref<1x!tpu.dma_semaphore, #tpu.memory_space<semaphore_mem>> -> memref<!tpu.dma_semaphore, #tpu.memory_space<semaphore_mem>>
    tpu.wait_indirect_dma semaphore(%dma_wait3A_177 : memref<!tpu.dma_semaphore, #tpu.memory_space<semaphore_mem>>) src(%dma_wait3A_175 : memref<1000x128xf32, #tpu.memory_space<vmem_shared>>) dst(%dma_wait3A_170 : memref<64x128xf32, #tpu.memory_space<vmem>>)
    %add3A_178 = arith.constant 64 : i32
    %add3A_179 = arith.addi %multiple_of3A, %add3A_178 : i32
    %dma_start3A_180 = arith.constant 64 : i32
    %dma_start3A_181 = arith.constant 0 : i32
    %dma_start3A_182 = tpu.memref_slice %arg6[%dma_start3A_180, %dma_start3A_181] : memref<512x128xf32, #tpu.memory_space<vmem>> -> memref<64x128xf32, #tpu.memory_space<vmem>>
    %dma_start3A_183 = arith.constant 0 : i32
    %dma_start3A_184 = tpu.memref_slice %arg4[%add3A_179, %dma_start3A_183] : memref<16384x128xf32, #tpu.memory_space<hbm>> -> memref<64x128xf32, #tpu.memory_space<hbm>>
    %dma_start3A_185 = arith.constant 0 : i32
    %dma_start3A_186 = tpu.memref_slice %arg4[%add3A_179, %dma_start3A_185] : memref<16384x128xf32, #tpu.memory_space<hbm>> -> memref<64x128xf32, #tpu.memory_space<hbm>>
    %dma_start3A_187 = arith.constant 64 : i32
    %dma_start3A_188 = arith.constant 0 : i32
    %dma_start3A_189 = tpu.memref_slice %arg6[%dma_start3A_187, %dma_start3A_188] : memref<512x128xf32, #tpu.memory_space<vmem>> -> memref<64x128xf32, #tpu.memory_space<vmem>>
    tpu.enqueue_dma source(%dma_start3A_189 : memref<64x128xf32, #tpu.memory_space<vmem>>) target(%dma_start3A_186 : memref<64x128xf32, #tpu.memory_space<hbm>>) target_semaphore(%arg9 : memref<!tpu.dma_semaphore, #tpu.memory_space<semaphore_mem>>)
    %dma_wait3A_190 = arith.constant 3 : i32
    %dma_wait3A_191 = arith.constant 128 : i32
    %dma_wait3A_192 = arith.constant 0 : i32
    %dma_wait3A_193 = tpu.memref_slice %arg6[%dma_wait3A_191, %dma_wait3A_192] : memref<512x128xf32, #tpu.memory_space<vmem>> -> memref<64x128xf32, #tpu.memory_space<vmem>>
    %dma_wait3A_194 = arith.constant 128 : i32
    %dma_wait3A_195 = tpu.memref_slice %arg5[%dma_wait3A_194] : memref<512xi32, #tpu.memory_space<vmem>> -> memref<64xi32, #tpu.memory_space<vmem>>
    %dma_wait3A_196 = arith.constant 0 : i32
    %dma_wait3A_197 = arith.constant 0 : i32
    %dma_wait3A_198 = tpu.memref_slice %arg7[%dma_wait3A_196, %dma_wait3A_197] : memref<1000x128xf32, #tpu.memory_space<vmem_shared>> -> memref<1000x128xf32, #tpu.memory_space<vmem_shared>>
    %dma_wait3A_199 = tpu.memref_slice %arg8[%dma_wait3A_190] : memref<10x!tpu.dma_semaphore, #tpu.memory_space<semaphore_mem>> -> memref<1x!tpu.dma_semaphore, #tpu.memory_space<semaphore_mem>>
    %dma_wait3A_200 = tpu.memref_squeeze %dma_wait3A_199 : memref<1x!tpu.dma_semaphore, #tpu.memory_space<semaphore_mem>> -> memref<!tpu.dma_semaphore, #tpu.memory_space<semaphore_mem>>
    tpu.wait_indirect_dma semaphore(%dma_wait3A_200 : memref<!tpu.dma_semaphore, #tpu.memory_space<semaphore_mem>>) src(%dma_wait3A_198 : memref<1000x128xf32, #tpu.memory_space<vmem_shared>>) dst(%dma_wait3A_193 : memref<64x128xf32, #tpu.memory_space<vmem>>)
    %add3A_201 = arith.constant 128 : i32
    %add3A_202 = arith.addi %multiple_of3A, %add3A_201 : i32
    %dma_start3A_203 = arith.constant 128 : i32
    %dma_start3A_204 = arith.constant 0 : i32
    %dma_start3A_205 = tpu.memref_slice %arg6[%dma_start3A_203, %dma_start3A_204] : memref<512x128xf32, #tpu.memory_space<vmem>> -> memref<64x128xf32, #tpu.memory_space<vmem>>
    %dma_start3A_206 = arith.constant 0 : i32
    %dma_start3A_207 = tpu.memref_slice %arg4[%add3A_202, %dma_start3A_206] : memref<16384x128xf32, #tpu.memory_space<hbm>> -> memref<64x128xf32, #tpu.memory_space<hbm>>
    %dma_start3A_208 = arith.constant 0 : i32
    %dma_start3A_209 = tpu.memref_slice %arg4[%add3A_202, %dma_start3A_208] : memref<16384x128xf32, #tpu.memory_space<hbm>> -> memref<64x128xf32, #tpu.memory_space<hbm>>
    %dma_start3A_210 = arith.constant 128 : i32
    %dma_start3A_211 = arith.constant 0 : i32
    %dma_start3A_212 = tpu.memref_slice %arg6[%dma_start3A_210, %dma_start3A_211] : memref<512x128xf32, #tpu.memory_space<vmem>> -> memref<64x128xf32, #tpu.memory_space<vmem>>
    tpu.enqueue_dma source(%dma_start3A_212 : memref<64x128xf32, #tpu.memory_space<vmem>>) target(%dma_start3A_209 : memref<64x128xf32, #tpu.memory_space<hbm>>) target_semaphore(%arg9 : memref<!tpu.dma_semaphore, #tpu.memory_space<semaphore_mem>>)
    %dma_wait3A_213 = arith.constant 4 : i32
    %dma_wait3A_214 = arith.constant 192 : i32
    %dma_wait3A_215 = arith.constant 0 : i32
    %dma_wait3A_216 = tpu.memref_slice %arg6[%dma_wait3A_214, %dma_wait3A_215] : memref<512x128xf32, #tpu.memory_space<vmem>> -> memref<64x128xf32, #tpu.memory_space<vmem>>
    %dma_wait3A_217 = arith.constant 192 : i32
    %dma_wait3A_218 = tpu.memref_slice %arg5[%dma_wait3A_217] : memref<512xi32, #tpu.memory_space<vmem>> -> memref<64xi32, #tpu.memory_space<vmem>>
    %dma_wait3A_219 = arith.constant 0 : i32
    %dma_wait3A_220 = arith.constant 0 : i32
    %dma_wait3A_221 = tpu.memref_slice %arg7[%dma_wait3A_219, %dma_wait3A_220] : memref<1000x128xf32, #tpu.memory_space<vmem_shared>> -> memref<1000x128xf32, #tpu.memory_space<vmem_shared>>
    %dma_wait3A_222 = tpu.memref_slice %arg8[%dma_wait3A_213] : memref<10x!tpu.dma_semaphore, #tpu.memory_space<semaphore_mem>> -> memref<1x!tpu.dma_semaphore, #tpu.memory_space<semaphore_mem>>
    %dma_wait3A_223 = tpu.memref_squeeze %dma_wait3A_222 : memref<1x!tpu.dma_semaphore, #tpu.memory_space<semaphore_mem>> -> memref<!tpu.dma_semaphore, #tpu.memory_space<semaphore_mem>>
    tpu.wait_indirect_dma semaphore(%dma_wait3A_223 : memref<!tpu.dma_semaphore, #tpu.memory_space<semaphore_mem>>) src(%dma_wait3A_221 : memref<1000x128xf32, #tpu.memory_space<vmem_shared>>) dst(%dma_wait3A_216 : memref<64x128xf32, #tpu.memory_space<vmem>>)
    %add3A_224 = arith.constant 192 : i32
    %add3A_225 = arith.addi %multiple_of3A, %add3A_224 : i32
    %dma_start3A_226 = arith.constant 192 : i32
    %dma_start3A_227 = arith.constant 0 : i32
    %dma_start3A_228 = tpu.memref_slice %arg6[%dma_start3A_226, %dma_start3A_227] : memref<512x128xf32, #tpu.memory_space<vmem>> -> memref<64x128xf32, #tpu.memory_space<vmem>>
    %dma_start3A_229 = arith.constant 0 : i32
    %dma_start3A_230 = tpu.memref_slice %arg4[%add3A_225, %dma_start3A_229] : memref<16384x128xf32, #tpu.memory_space<hbm>> -> memref<64x128xf32, #tpu.memory_space<hbm>>
    %dma_start3A_231 = arith.constant 0 : i32
    %dma_start3A_232 = tpu.memref_slice %arg4[%add3A_225, %dma_start3A_231] : memref<16384x128xf32, #tpu.memory_space<hbm>> -> memref<64x128xf32, #tpu.memory_space<hbm>>
    %dma_start3A_233 = arith.constant 192 : i32
    %dma_start3A_234 = arith.constant 0 : i32
    %dma_start3A_235 = tpu.memref_slice %arg6[%dma_start3A_233, %dma_start3A_234] : memref<512x128xf32, #tpu.memory_space<vmem>> -> memref<64x128xf32, #tpu.memory_space<vmem>>
    tpu.enqueue_dma source(%dma_start3A_235 : memref<64x128xf32, #tpu.memory_space<vmem>>) target(%dma_start3A_232 : memref<64x128xf32, #tpu.memory_space<hbm>>) target_semaphore(%arg9 : memref<!tpu.dma_semaphore, #tpu.memory_space<semaphore_mem>>)
    %dma_wait3A_236 = arith.constant 5 : i32
    %dma_wait3A_237 = arith.constant 256 : i32
    %dma_wait3A_238 = arith.constant 0 : i32
    %dma_wait3A_239 = tpu.memref_slice %arg6[%dma_wait3A_237, %dma_wait3A_238] : memref<512x128xf32, #tpu.memory_space<vmem>> -> memref<64x128xf32, #tpu.memory_space<vmem>>
    %dma_wait3A_240 = arith.constant 256 : i32
    %dma_wait3A_241 = tpu.memref_slice %arg5[%dma_wait3A_240] : memref<512xi32, #tpu.memory_space<vmem>> -> memref<64xi32, #tpu.memory_space<vmem>>
    %dma_wait3A_242 = arith.constant 0 : i32
    %dma_wait3A_243 = arith.constant 0 : i32
    %dma_wait3A_244 = tpu.memref_slice %arg7[%dma_wait3A_242, %dma_wait3A_243] : memref<1000x128xf32, #tpu.memory_space<vmem_shared>> -> memref<1000x128xf32, #tpu.memory_space<vmem_shared>>
    %dma_wait3A_245 = tpu.memref_slice %arg8[%dma_wait3A_236] : memref<10x!tpu.dma_semaphore, #tpu.memory_space<semaphore_mem>> -> memref<1x!tpu.dma_semaphore, #tpu.memory_space<semaphore_mem>>
    %dma_wait3A_246 = tpu.memref_squeeze %dma_wait3A_245 : memref<1x!tpu.dma_semaphore, #tpu.memory_space<semaphore_mem>> -> memref<!tpu.dma_semaphore, #tpu.memory_space<semaphore_mem>>
    tpu.wait_indirect_dma semaphore(%dma_wait3A_246 : memref<!tpu.dma_semaphore, #tpu.memory_space<semaphore_mem>>) src(%dma_wait3A_244 : memref<1000x128xf32, #tpu.memory_space<vmem_shared>>) dst(%dma_wait3A_239 : memref<64x128xf32, #tpu.memory_space<vmem>>)
    %add3A_247 = arith.constant 256 : i32
    %add3A_248 = arith.addi %multiple_of3A, %add3A_247 : i32
    %dma_start3A_249 = arith.constant 256 : i32
    %dma_start3A_250 = arith.constant 0 : i32
    %dma_start3A_251 = tpu.memref_slice %arg6[%dma_start3A_249, %dma_start3A_250] : memref<512x128xf32, #tpu.memory_space<vmem>> -> memref<64x128xf32, #tpu.memory_space<vmem>>
    %dma_start3A_252 = arith.constant 0 : i32
    %dma_start3A_253 = tpu.memref_slice %arg4[%add3A_248, %dma_start3A_252] : memref<16384x128xf32, #tpu.memory_space<hbm>> -> memref<64x128xf32, #tpu.memory_space<hbm>>
    %dma_start3A_254 = arith.constant 0 : i32
    %dma_start3A_255 = tpu.memref_slice %arg4[%add3A_248, %dma_start3A_254] : memref<16384x128xf32, #tpu.memory_space<hbm>> -> memref<64x128xf32, #tpu.memory_space<hbm>>
    %dma_start3A_256 = arith.constant 256 : i32
    %dma_start3A_257 = arith.constant 0 : i32
    %dma_start3A_258 = tpu.memref_slice %arg6[%dma_start3A_256, %dma_start3A_257] : memref<512x128xf32, #tpu.memory_space<vmem>> -> memref<64x128xf32, #tpu.memory_space<vmem>>
    tpu.enqueue_dma source(%dma_start3A_258 : memref<64x128xf32, #tpu.memory_space<vmem>>) target(%dma_start3A_255 : memref<64x128xf32, #tpu.memory_space<hbm>>) target_semaphore(%arg9 : memref<!tpu.dma_semaphore, #tpu.memory_space<semaphore_mem>>)
    %dma_wait3A_259 = arith.constant 6 : i32
    %dma_wait3A_260 = arith.constant 320 : i32
    %dma_wait3A_261 = arith.constant 0 : i32
    %dma_wait3A_262 = tpu.memref_slice %arg6[%dma_wait3A_260, %dma_wait3A_261] : memref<512x128xf32, #tpu.memory_space<vmem>> -> memref<64x128xf32, #tpu.memory_space<vmem>>
    %dma_wait3A_263 = arith.constant 320 : i32
    %dma_wait3A_264 = tpu.memref_slice %arg5[%dma_wait3A_263] : memref<512xi32, #tpu.memory_space<vmem>> -> memref<64xi32, #tpu.memory_space<vmem>>
    %dma_wait3A_265 = arith.constant 0 : i32
    %dma_wait3A_266 = arith.constant 0 : i32
    %dma_wait3A_267 = tpu.memref_slice %arg7[%dma_wait3A_265, %dma_wait3A_266] : memref<1000x128xf32, #tpu.memory_space<vmem_shared>> -> memref<1000x128xf32, #tpu.memory_space<vmem_shared>>
    %dma_wait3A_268 = tpu.memref_slice %arg8[%dma_wait3A_259] : memref<10x!tpu.dma_semaphore, #tpu.memory_space<semaphore_mem>> -> memref<1x!tpu.dma_semaphore, #tpu.memory_space<semaphore_mem>>
    %dma_wait3A_269 = tpu.memref_squeeze %dma_wait3A_268 : memref<1x!tpu.dma_semaphore, #tpu.memory_space<semaphore_mem>> -> memref<!tpu.dma_semaphore, #tpu.memory_space<semaphore_mem>>
    tpu.wait_indirect_dma semaphore(%dma_wait3A_269 : memref<!tpu.dma_semaphore, #tpu.memory_space<semaphore_mem>>) src(%dma_wait3A_267 : memref<1000x128xf32, #tpu.memory_space<vmem_shared>>) dst(%dma_wait3A_262 : memref<64x128xf32, #tpu.memory_space<vmem>>)
    %add3A_270 = arith.constant 320 : i32
    %add3A_271 = arith.addi %multiple_of3A, %add3A_270 : i32
    %dma_start3A_272 = arith.constant 320 : i32
    %dma_start3A_273 = arith.constant 0 : i32
    %dma_start3A_274 = tpu.memref_slice %arg6[%dma_start3A_272, %dma_start3A_273] : memref<512x128xf32, #tpu.memory_space<vmem>> -> memref<64x128xf32, #tpu.memory_space<vmem>>
    %dma_start3A_275 = arith.constant 0 : i32
    %dma_start3A_276 = tpu.memref_slice %arg4[%add3A_271, %dma_start3A_275] : memref<16384x128xf32, #tpu.memory_space<hbm>> -> memref<64x128xf32, #tpu.memory_space<hbm>>
    %dma_start3A_277 = arith.constant 0 : i32
    %dma_start3A_278 = tpu.memref_slice %arg4[%add3A_271, %dma_start3A_277] : memref<16384x128xf32, #tpu.memory_space<hbm>> -> memref<64x128xf32, #tpu.memory_space<hbm>>
    %dma_start3A_279 = arith.constant 320 : i32
    %dma_start3A_280 = arith.constant 0 : i32
    %dma_start3A_281 = tpu.memref_slice %arg6[%dma_start3A_279, %dma_start3A_280] : memref<512x128xf32, #tpu.memory_space<vmem>> -> memref<64x128xf32, #tpu.memory_space<vmem>>
    tpu.enqueue_dma source(%dma_start3A_281 : memref<64x128xf32, #tpu.memory_space<vmem>>) target(%dma_start3A_278 : memref<64x128xf32, #tpu.memory_space<hbm>>) target_semaphore(%arg9 : memref<!tpu.dma_semaphore, #tpu.memory_space<semaphore_mem>>)
    %dma_wait3A_282 = arith.constant 7 : i32
    %dma_wait3A_283 = arith.constant 384 : i32
    %dma_wait3A_284 = arith.constant 0 : i32
    %dma_wait3A_285 = tpu.memref_slice %arg6[%dma_wait3A_283, %dma_wait3A_284] : memref<512x128xf32, #tpu.memory_space<vmem>> -> memref<64x128xf32, #tpu.memory_space<vmem>>
    %dma_wait3A_286 = arith.constant 384 : i32
    %dma_wait3A_287 = tpu.memref_slice %arg5[%dma_wait3A_286] : memref<512xi32, #tpu.memory_space<vmem>> -> memref<64xi32, #tpu.memory_space<vmem>>
    %dma_wait3A_288 = arith.constant 0 : i32
    %dma_wait3A_289 = arith.constant 0 : i32
    %dma_wait3A_290 = tpu.memref_slice %arg7[%dma_wait3A_288, %dma_wait3A_289] : memref<1000x128xf32, #tpu.memory_space<vmem_shared>> -> memref<1000x128xf32, #tpu.memory_space<vmem_shared>>
    %dma_wait3A_291 = tpu.memref_slice %arg8[%dma_wait3A_282] : memref<10x!tpu.dma_semaphore, #tpu.memory_space<semaphore_mem>> -> memref<1x!tpu.dma_semaphore, #tpu.memory_space<semaphore_mem>>
    %dma_wait3A_292 = tpu.memref_squeeze %dma_wait3A_291 : memref<1x!tpu.dma_semaphore, #tpu.memory_space<semaphore_mem>> -> memref<!tpu.dma_semaphore, #tpu.memory_space<semaphore_mem>>
    tpu.wait_indirect_dma semaphore(%dma_wait3A_292 : memref<!tpu.dma_semaphore, #tpu.memory_space<semaphore_mem>>) src(%dma_wait3A_290 : memref<1000x128xf32, #tpu.memory_space<vmem_shared>>) dst(%dma_wait3A_285 : memref<64x128xf32, #tpu.memory_space<vmem>>)
    %add3A_293 = arith.constant 384 : i32
    %add3A_294 = arith.addi %multiple_of3A, %add3A_293 : i32
    %dma_start3A_295 = arith.constant 384 : i32
    %dma_start3A_296 = arith.constant 0 : i32
    %dma_start3A_297 = tpu.memref_slice %arg6[%dma_start3A_295, %dma_start3A_296] : memref<512x128xf32, #tpu.memory_space<vmem>> -> memref<64x128xf32, #tpu.memory_space<vmem>>
    %dma_start3A_298 = arith.constant 0 : i32
    %dma_start3A_299 = tpu.memref_slice %arg4[%add3A_294, %dma_start3A_298] : memref<16384x128xf32, #tpu.memory_space<hbm>> -> memref<64x128xf32, #tpu.memory_space<hbm>>
    %dma_start3A_300 = arith.constant 0 : i32
    %dma_start3A_301 = tpu.memref_slice %arg4[%add3A_294, %dma_start3A_300] : memref<16384x128xf32, #tpu.memory_space<hbm>> -> memref<64x128xf32, #tpu.memory_space<hbm>>
    %dma_start3A_302 = arith.constant 384 : i32
    %dma_start3A_303 = arith.constant 0 : i32
    %dma_start3A_304 = tpu.memref_slice %arg6[%dma_start3A_302, %dma_start3A_303] : memref<512x128xf32, #tpu.memory_space<vmem>> -> memref<64x128xf32, #tpu.memory_space<vmem>>
    tpu.enqueue_dma source(%dma_start3A_304 : memref<64x128xf32, #tpu.memory_space<vmem>>) target(%dma_start3A_301 : memref<64x128xf32, #tpu.memory_space<hbm>>) target_semaphore(%arg9 : memref<!tpu.dma_semaphore, #tpu.memory_space<semaphore_mem>>)
    %dma_wait3A_305 = arith.constant 8 : i32
    %dma_wait3A_306 = arith.constant 448 : i32
    %dma_wait3A_307 = arith.constant 0 : i32
    %dma_wait3A_308 = tpu.memref_slice %arg6[%dma_wait3A_306, %dma_wait3A_307] : memref<512x128xf32, #tpu.memory_space<vmem>> -> memref<48x128xf32, #tpu.memory_space<vmem>>
    %dma_wait3A_309 = arith.constant 448 : i32
    %dma_wait3A_310 = tpu.memref_slice %arg5[%dma_wait3A_309] : memref<512xi32, #tpu.memory_space<vmem>> -> memref<48xi32, #tpu.memory_space<vmem>>
    %dma_wait3A_311 = arith.constant 0 : i32
    %dma_wait3A_312 = arith.constant 0 : i32
    %dma_wait3A_313 = tpu.memref_slice %arg7[%dma_wait3A_311, %dma_wait3A_312] : memref<1000x128xf32, #tpu.memory_space<vmem_shared>> -> memref<1000x128xf32, #tpu.memory_space<vmem_shared>>
    %dma_wait3A_314 = tpu.memref_slice %arg8[%dma_wait3A_305] : memref<10x!tpu.dma_semaphore, #tpu.memory_space<semaphore_mem>> -> memref<1x!tpu.dma_semaphore, #tpu.memory_space<semaphore_mem>>
    %dma_wait3A_315 = tpu.memref_squeeze %dma_wait3A_314 : memref<1x!tpu.dma_semaphore, #tpu.memory_space<semaphore_mem>> -> memref<!tpu.dma_semaphore, #tpu.memory_space<semaphore_mem>>
    tpu.wait_indirect_dma semaphore(%dma_wait3A_315 : memref<!tpu.dma_semaphore, #tpu.memory_space<semaphore_mem>>) src(%dma_wait3A_313 : memref<1000x128xf32, #tpu.memory_space<vmem_shared>>) dst(%dma_wait3A_308 : memref<48x128xf32, #tpu.memory_space<vmem>>)
    %add3A_316 = arith.constant 448 : i32
    %add3A_317 = arith.addi %multiple_of3A, %add3A_316 : i32
    %dma_start3A_318 = arith.constant 448 : i32
    %dma_start3A_319 = arith.constant 0 : i32
    %dma_start3A_320 = tpu.memref_slice %arg6[%dma_start3A_318, %dma_start3A_319] : memref<512x128xf32, #tpu.memory_space<vmem>> -> memref<48x128xf32, #tpu.memory_space<vmem>>
    %dma_start3A_321 = arith.constant 0 : i32
    %dma_start3A_322 = tpu.memref_slice %arg4[%add3A_317, %dma_start3A_321] : memref<16384x128xf32, #tpu.memory_space<hbm>> -> memref<48x128xf32, #tpu.memory_space<hbm>>
    %dma_start3A_323 = arith.constant 0 : i32
    %dma_start3A_324 = tpu.memref_slice %arg4[%add3A_317, %dma_start3A_323] : memref<16384x128xf32, #tpu.memory_space<hbm>> -> memref<48x128xf32, #tpu.memory_space<hbm>>
    %dma_start3A_325 = arith.constant 448 : i32
    %dma_start3A_326 = arith.constant 0 : i32
    %dma_start3A_327 = tpu.memref_slice %arg6[%dma_start3A_325, %dma_start3A_326] : memref<512x128xf32, #tpu.memory_space<vmem>> -> memref<48x128xf32, #tpu.memory_space<vmem>>
    tpu.enqueue_dma source(%dma_start3A_327 : memref<48x128xf32, #tpu.memory_space<vmem>>) target(%dma_start3A_324 : memref<48x128xf32, #tpu.memory_space<hbm>>) target_semaphore(%arg9 : memref<!tpu.dma_semaphore, #tpu.memory_space<semaphore_mem>>)
    %dma_wait3A_328 = arith.constant 9 : i32
    %dma_wait3A_329 = arith.constant 496 : i32
    %dma_wait3A_330 = arith.constant 0 : i32
    %dma_wait3A_331 = tpu.memref_slice %arg6[%dma_wait3A_329, %dma_wait3A_330] : memref<512x128xf32, #tpu.memory_space<vmem>> -> memref<16x128xf32, #tpu.memory_space<vmem>>
    %dma_wait3A_332 = arith.constant 496 : i32
    %dma_wait3A_333 = tpu.memref_slice %arg5[%dma_wait3A_332] : memref<512xi32, #tpu.memory_space<vmem>> -> memref<16xi32, #tpu.memory_space<vmem>>
    %dma_wait3A_334 = arith.constant 0 : i32
    %dma_wait3A_335 = arith.constant 0 : i32
    %dma_wait3A_336 = tpu.memref_slice %arg7[%dma_wait3A_334, %dma_wait3A_335] : memref<1000x128xf32, #tpu.memory_space<vmem_shared>> -> memref<1000x128xf32, #tpu.memory_space<vmem_shared>>
    %dma_wait3A_337 = tpu.memref_slice %arg8[%dma_wait3A_328] : memref<10x!tpu.dma_semaphore, #tpu.memory_space<semaphore_mem>> -> memref<1x!tpu.dma_semaphore, #tpu.memory_space<semaphore_mem>>
    %dma_wait3A_338 = tpu.memref_squeeze %dma_wait3A_337 : memref<1x!tpu.dma_semaphore, #tpu.memory_space<semaphore_mem>> -> memref<!tpu.dma_semaphore, #tpu.memory_space<semaphore_mem>>
    tpu.wait_indirect_dma semaphore(%dma_wait3A_338 : memref<!tpu.dma_semaphore, #tpu.memory_space<semaphore_mem>>) src(%dma_wait3A_336 : memref<1000x128xf32, #tpu.memory_space<vmem_shared>>) dst(%dma_wait3A_331 : memref<16x128xf32, #tpu.memory_space<vmem>>)
    %add3A_339 = arith.constant 496 : i32
    %add3A_340 = arith.addi %multiple_of3A, %add3A_339 : i32
    %dma_start3A_341 = arith.constant 496 : i32
    %dma_start3A_342 = arith.constant 0 : i32
    %dma_start3A_343 = tpu.memref_slice %arg6[%dma_start3A_341, %dma_start3A_342] : memref<512x128xf32, #tpu.memory_space<vmem>> -> memref<16x128xf32, #tpu.memory_space<vmem>>
    %dma_start3A_344 = arith.constant 0 : i32
    %dma_start3A_345 = tpu.memref_slice %arg4[%add3A_340, %dma_start3A_344] : memref<16384x128xf32, #tpu.memory_space<hbm>> -> memref<16x128xf32, #tpu.memory_space<hbm>>
    %dma_start3A_346 = arith.constant 0 : i32
    %dma_start3A_347 = tpu.memref_slice %arg4[%add3A_340, %dma_start3A_346] : memref<16384x128xf32, #tpu.memory_space<hbm>> -> memref<16x128xf32, #tpu.memory_space<hbm>>
    %dma_start3A_348 = arith.constant 496 : i32
    %dma_start3A_349 = arith.constant 0 : i32
    %dma_start3A_350 = tpu.memref_slice %arg6[%dma_start3A_348, %dma_start3A_349] : memref<512x128xf32, #tpu.memory_space<vmem>> -> memref<16x128xf32, #tpu.memory_space<vmem>>
    tpu.enqueue_dma source(%dma_start3A_350 : memref<16x128xf32, #tpu.memory_space<vmem>>) target(%dma_start3A_347 : memref<16x128xf32, #tpu.memory_space<hbm>>) target_semaphore(%arg9 : memref<!tpu.dma_semaphore, #tpu.memory_space<semaphore_mem>>)
    %dma_wait3A_351 = arith.constant 0 : i32
    %dma_wait3A_352 = arith.constant 0 : i32
    %dma_wait3A_353 = tpu.memref_slice %arg6[%dma_wait3A_351, %dma_wait3A_352] : memref<512x128xf32, #tpu.memory_space<vmem>> -> memref<16x128xf32, #tpu.memory_space<vmem>>
    %dma_wait3A_354 = arith.constant 0 : i32
    %dma_wait3A_355 = tpu.memref_slice %arg4[%add3A_133, %dma_wait3A_354] : memref<16384x128xf32, #tpu.memory_space<hbm>> -> memref<16x128xf32, #tpu.memory_space<hbm>>
    %dma_wait3A_356 = arith.constant 0 : i32
    %dma_wait3A_357 = tpu.memref_slice %arg4[%add3A_133, %dma_wait3A_356] : memref<16384x128xf32, #tpu.memory_space<hbm>> -> memref<16x128xf32, #tpu.memory_space<hbm>>
    %dma_wait3A_358 = arith.constant 0 : i32
    %dma_wait3A_359 = arith.constant 0 : i32
    %dma_wait3A_360 = tpu.memref_slice %arg6[%dma_wait3A_358, %dma_wait3A_359] : memref<512x128xf32, #tpu.memory_space<vmem>> -> memref<16x128xf32, #tpu.memory_space<vmem>>
    tpu.wait_dma2 semaphore(%arg9 : memref<!tpu.dma_semaphore, #tpu.memory_space<semaphore_mem>>) src(%dma_wait3A_360 : memref<16x128xf32, #tpu.memory_space<vmem>>) dst(%dma_wait3A_357 : memref<16x128xf32, #tpu.memory_space<hbm>>)
    %dma_wait3A_361 = arith.constant 16 : i32
    %dma_wait3A_362 = arith.constant 0 : i32
    %dma_wait3A_363 = tpu.memref_slice %arg6[%dma_wait3A_361, %dma_wait3A_362] : memref<512x128xf32, #tpu.memory_space<vmem>> -> memref<48x128xf32, #tpu.memory_space<vmem>>
    %dma_wait3A_364 = arith.constant 0 : i32
    %dma_wait3A_365 = tpu.memref_slice %arg4[%add3A_156, %dma_wait3A_364] : memref<16384x128xf32, #tpu.memory_space<hbm>> -> memref<48x128xf32, #tpu.memory_space<hbm>>
    %dma_wait3A_366 = arith.constant 0 : i32
    %dma_wait3A_367 = tpu.memref_slice %arg4[%add3A_156, %dma_wait3A_366] : memref<16384x128xf32, #tpu.memory_space<hbm>> -> memref<48x128xf32, #tpu.memory_space<hbm>>
    %dma_wait3A_368 = arith.constant 16 : i32
    %dma_wait3A_369 = arith.constant 0 : i32
    %dma_wait3A_370 = tpu.memref_slice %arg6[%dma_wait3A_368, %dma_wait3A_369] : memref<512x128xf32, #tpu.memory_space<vmem>> -> memref<48x128xf32, #tpu.memory_space<vmem>>
    tpu.wait_dma2 semaphore(%arg9 : memref<!tpu.dma_semaphore, #tpu.memory_space<semaphore_mem>>) src(%dma_wait3A_370 : memref<48x128xf32, #tpu.memory_space<vmem>>) dst(%dma_wait3A_367 : memref<48x128xf32, #tpu.memory_space<hbm>>)
    %dma_wait3A_371 = arith.constant 64 : i32
    %dma_wait3A_372 = arith.constant 0 : i32
    %dma_wait3A_373 = tpu.memref_slice %arg6[%dma_wait3A_371, %dma_wait3A_372] : memref<512x128xf32, #tpu.memory_space<vmem>> -> memref<64x128xf32, #tpu.memory_space<vmem>>
    %dma_wait3A_374 = arith.constant 0 : i32
    %dma_wait3A_375 = tpu.memref_slice %arg4[%add3A_179, %dma_wait3A_374] : memref<16384x128xf32, #tpu.memory_space<hbm>> -> memref<64x128xf32, #tpu.memory_space<hbm>>
    %dma_wait3A_376 = arith.constant 0 : i32
    %dma_wait3A_377 = tpu.memref_slice %arg4[%add3A_179, %dma_wait3A_376] : memref<16384x128xf32, #tpu.memory_space<hbm>> -> memref<64x128xf32, #tpu.memory_space<hbm>>
    %dma_wait3A_378 = arith.constant 64 : i32
    %dma_wait3A_379 = arith.constant 0 : i32
    %dma_wait3A_380 = tpu.memref_slice %arg6[%dma_wait3A_378, %dma_wait3A_379] : memref<512x128xf32, #tpu.memory_space<vmem>> -> memref<64x128xf32, #tpu.memory_space<vmem>>
    tpu.wait_dma2 semaphore(%arg9 : memref<!tpu.dma_semaphore, #tpu.memory_space<semaphore_mem>>) src(%dma_wait3A_380 : memref<64x128xf32, #tpu.memory_space<vmem>>) dst(%dma_wait3A_377 : memref<64x128xf32, #tpu.memory_space<hbm>>)
    %dma_wait3A_381 = arith.constant 128 : i32
    %dma_wait3A_382 = arith.constant 0 : i32
    %dma_wait3A_383 = tpu.memref_slice %arg6[%dma_wait3A_381, %dma_wait3A_382] : memref<512x128xf32, #tpu.memory_space<vmem>> -> memref<64x128xf32, #tpu.memory_space<vmem>>
    %dma_wait3A_384 = arith.constant 0 : i32
    %dma_wait3A_385 = tpu.memref_slice %arg4[%add3A_202, %dma_wait3A_384] : memref<16384x128xf32, #tpu.memory_space<hbm>> -> memref<64x128xf32, #tpu.memory_space<hbm>>
    %dma_wait3A_386 = arith.constant 0 : i32
    %dma_wait3A_387 = tpu.memref_slice %arg4[%add3A_202, %dma_wait3A_386] : memref<16384x128xf32, #tpu.memory_space<hbm>> -> memref<64x128xf32, #tpu.memory_space<hbm>>
    %dma_wait3A_388 = arith.constant 128 : i32
    %dma_wait3A_389 = arith.constant 0 : i32
    %dma_wait3A_390 = tpu.memref_slice %arg6[%dma_wait3A_388, %dma_wait3A_389] : memref<512x128xf32, #tpu.memory_space<vmem>> -> memref<64x128xf32, #tpu.memory_space<vmem>>
    tpu.wait_dma2 semaphore(%arg9 : memref<!tpu.dma_semaphore, #tpu.memory_space<semaphore_mem>>) src(%dma_wait3A_390 : memref<64x128xf32, #tpu.memory_space<vmem>>) dst(%dma_wait3A_387 : memref<64x128xf32, #tpu.memory_space<hbm>>)
    %dma_wait3A_391 = arith.constant 192 : i32
    %dma_wait3A_392 = arith.constant 0 : i32
    %dma_wait3A_393 = tpu.memref_slice %arg6[%dma_wait3A_391, %dma_wait3A_392] : memref<512x128xf32, #tpu.memory_space<vmem>> -> memref<64x128xf32, #tpu.memory_space<vmem>>
    %dma_wait3A_394 = arith.constant 0 : i32
    %dma_wait3A_395 = tpu.memref_slice %arg4[%add3A_225, %dma_wait3A_394] : memref<16384x128xf32, #tpu.memory_space<hbm>> -> memref<64x128xf32, #tpu.memory_space<hbm>>
    %dma_wait3A_396 = arith.constant 0 : i32
    %dma_wait3A_397 = tpu.memref_slice %arg4[%add3A_225, %dma_wait3A_396] : memref<16384x128xf32, #tpu.memory_space<hbm>> -> memref<64x128xf32, #tpu.memory_space<hbm>>
    %dma_wait3A_398 = arith.constant 192 : i32
    %dma_wait3A_399 = arith.constant 0 : i32
    %dma_wait3A_400 = tpu.memref_slice %arg6[%dma_wait3A_398, %dma_wait3A_399] : memref<512x128xf32, #tpu.memory_space<vmem>> -> memref<64x128xf32, #tpu.memory_space<vmem>>
    tpu.wait_dma2 semaphore(%arg9 : memref<!tpu.dma_semaphore, #tpu.memory_space<semaphore_mem>>) src(%dma_wait3A_400 : memref<64x128xf32, #tpu.memory_space<vmem>>) dst(%dma_wait3A_397 : memref<64x128xf32, #tpu.memory_space<hbm>>)
    %dma_wait3A_401 = arith.constant 256 : i32
    %dma_wait3A_402 = arith.constant 0 : i32
    %dma_wait3A_403 = tpu.memref_slice %arg6[%dma_wait3A_401, %dma_wait3A_402] : memref<512x128xf32, #tpu.memory_space<vmem>> -> memref<64x128xf32, #tpu.memory_space<vmem>>
    %dma_wait3A_404 = arith.constant 0 : i32
    %dma_wait3A_405 = tpu.memref_slice %arg4[%add3A_248, %dma_wait3A_404] : memref<16384x128xf32, #tpu.memory_space<hbm>> -> memref<64x128xf32, #tpu.memory_space<hbm>>
    %dma_wait3A_406 = arith.constant 0 : i32
    %dma_wait3A_407 = tpu.memref_slice %arg4[%add3A_248, %dma_wait3A_406] : memref<16384x128xf32, #tpu.memory_space<hbm>> -> memref<64x128xf32, #tpu.memory_space<hbm>>
    %dma_wait3A_408 = arith.constant 256 : i32
    %dma_wait3A_409 = arith.constant 0 : i32
    %dma_wait3A_410 = tpu.memref_slice %arg6[%dma_wait3A_408, %dma_wait3A_409] : memref<512x128xf32, #tpu.memory_space<vmem>> -> memref<64x128xf32, #tpu.memory_space<vmem>>
    tpu.wait_dma2 semaphore(%arg9 : memref<!tpu.dma_semaphore, #tpu.memory_space<semaphore_mem>>) src(%dma_wait3A_410 : memref<64x128xf32, #tpu.memory_space<vmem>>) dst(%dma_wait3A_407 : memref<64x128xf32, #tpu.memory_space<hbm>>)
    %dma_wait3A_411 = arith.constant 320 : i32
    %dma_wait3A_412 = arith.constant 0 : i32
    %dma_wait3A_413 = tpu.memref_slice %arg6[%dma_wait3A_411, %dma_wait3A_412] : memref<512x128xf32, #tpu.memory_space<vmem>> -> memref<64x128xf32, #tpu.memory_space<vmem>>
    %dma_wait3A_414 = arith.constant 0 : i32
    %dma_wait3A_415 = tpu.memref_slice %arg4[%add3A_271, %dma_wait3A_414] : memref<16384x128xf32, #tpu.memory_space<hbm>> -> memref<64x128xf32, #tpu.memory_space<hbm>>
    %dma_wait3A_416 = arith.constant 0 : i32
    %dma_wait3A_417 = tpu.memref_slice %arg4[%add3A_271, %dma_wait3A_416] : memref<16384x128xf32, #tpu.memory_space<hbm>> -> memref<64x128xf32, #tpu.memory_space<hbm>>
    %dma_wait3A_418 = arith.constant 320 : i32
    %dma_wait3A_419 = arith.constant 0 : i32
    %dma_wait3A_420 = tpu.memref_slice %arg6[%dma_wait3A_418, %dma_wait3A_419] : memref<512x128xf32, #tpu.memory_space<vmem>> -> memref<64x128xf32, #tpu.memory_space<vmem>>
    tpu.wait_dma2 semaphore(%arg9 : memref<!tpu.dma_semaphore, #tpu.memory_space<semaphore_mem>>) src(%dma_wait3A_420 : memref<64x128xf32, #tpu.memory_space<vmem>>) dst(%dma_wait3A_417 : memref<64x128xf32, #tpu.memory_space<hbm>>)
    %dma_wait3A_421 = arith.constant 384 : i32
    %dma_wait3A_422 = arith.constant 0 : i32
    %dma_wait3A_423 = tpu.memref_slice %arg6[%dma_wait3A_421, %dma_wait3A_422] : memref<512x128xf32, #tpu.memory_space<vmem>> -> memref<64x128xf32, #tpu.memory_space<vmem>>
    %dma_wait3A_424 = arith.constant 0 : i32
    %dma_wait3A_425 = tpu.memref_slice %arg4[%add3A_294, %dma_wait3A_424] : memref<16384x128xf32, #tpu.memory_space<hbm>> -> memref<64x128xf32, #tpu.memory_space<hbm>>
    %dma_wait3A_426 = arith.constant 0 : i32
    %dma_wait3A_427 = tpu.memref_slice %arg4[%add3A_294, %dma_wait3A_426] : memref<16384x128xf32, #tpu.memory_space<hbm>> -> memref<64x128xf32, #tpu.memory_space<hbm>>
    %dma_wait3A_428 = arith.constant 384 : i32
    %dma_wait3A_429 = arith.constant 0 : i32
    %dma_wait3A_430 = tpu.memref_slice %arg6[%dma_wait3A_428, %dma_wait3A_429] : memref<512x128xf32, #tpu.memory_space<vmem>> -> memref<64x128xf32, #tpu.memory_space<vmem>>
    tpu.wait_dma2 semaphore(%arg9 : memref<!tpu.dma_semaphore, #tpu.memory_space<semaphore_mem>>) src(%dma_wait3A_430 : memref<64x128xf32, #tpu.memory_space<vmem>>) dst(%dma_wait3A_427 : memref<64x128xf32, #tpu.memory_space<hbm>>)
    %dma_wait3A_431 = arith.constant 448 : i32
    %dma_wait3A_432 = arith.constant 0 : i32
    %dma_wait3A_433 = tpu.memref_slice %arg6[%dma_wait3A_431, %dma_wait3A_432] : memref<512x128xf32, #tpu.memory_space<vmem>> -> memref<48x128xf32, #tpu.memory_space<vmem>>
    %dma_wait3A_434 = arith.constant 0 : i32
    %dma_wait3A_435 = tpu.memref_slice %arg4[%add3A_317, %dma_wait3A_434] : memref<16384x128xf32, #tpu.memory_space<hbm>> -> memref<48x128xf32, #tpu.memory_space<hbm>>
    %dma_wait3A_436 = arith.constant 0 : i32
    %dma_wait3A_437 = tpu.memref_slice %arg4[%add3A_317, %dma_wait3A_436] : memref<16384x128xf32, #tpu.memory_space<hbm>> -> memref<48x128xf32, #tpu.memory_space<hbm>>
    %dma_wait3A_438 = arith.constant 448 : i32
    %dma_wait3A_439 = arith.constant 0 : i32
    %dma_wait3A_440 = tpu.memref_slice %arg6[%dma_wait3A_438, %dma_wait3A_439] : memref<512x128xf32, #tpu.memory_space<vmem>> -> memref<48x128xf32, #tpu.memory_space<vmem>>
    tpu.wait_dma2 semaphore(%arg9 : memref<!tpu.dma_semaphore, #tpu.memory_space<semaphore_mem>>) src(%dma_wait3A_440 : memref<48x128xf32, #tpu.memory_space<vmem>>) dst(%dma_wait3A_437 : memref<48x128xf32, #tpu.memory_space<hbm>>)
    %dma_wait3A_441 = arith.constant 496 : i32
    %dma_wait3A_442 = arith.constant 0 : i32
    %dma_wait3A_443 = tpu.memref_slice %arg6[%dma_wait3A_441, %dma_wait3A_442] : memref<512x128xf32, #tpu.memory_space<vmem>> -> memref<16x128xf32, #tpu.memory_space<vmem>>
    %dma_wait3A_444 = arith.constant 0 : i32
    %dma_wait3A_445 = tpu.memref_slice %arg4[%add3A_340, %dma_wait3A_444] : memref<16384x128xf32, #tpu.memory_space<hbm>> -> memref<16x128xf32, #tpu.memory_space<hbm>>
    %dma_wait3A_446 = arith.constant 0 : i32
    %dma_wait3A_447 = tpu.memref_slice %arg4[%add3A_340, %dma_wait3A_446] : memref<16384x128xf32, #tpu.memory_space<hbm>> -> memref<16x128xf32, #tpu.memory_space<hbm>>
    %dma_wait3A_448 = arith.constant 496 : i32
    %dma_wait3A_449 = arith.constant 0 : i32
    %dma_wait3A_450 = tpu.memref_slice %arg6[%dma_wait3A_448, %dma_wait3A_449] : memref<512x128xf32, #tpu.memory_space<vmem>> -> memref<16x128xf32, #tpu.memory_space<vmem>>
    tpu.wait_dma2 semaphore(%arg9 : memref<!tpu.dma_semaphore, #tpu.memory_space<semaphore_mem>>) src(%dma_wait3A_450 : memref<16x128xf32, #tpu.memory_space<vmem>>) dst(%dma_wait3A_447 : memref<16x128xf32, #tpu.memory_space<hbm>>)
    return
  }
}

</mosaic_0001>

<sc_bundles>
// kernel: kernel.3.cloned.1.call-start
scs
__scs_entry_jumppad:
0x0: {  	(pc) =	sbr.rel $0x88, $3  }
0x1: {  	(tag) =	ssettag $0x0;
	lr =	simm.s32 $0x1  }
0x2: {  	[smem:$0x3F9F] =	sst lr;
	_ =	strace $0xD0000000  }
0x3: {  	_ = 	snop  }
0x4: {  	_ = 	snop  }
0x5: {  	_ = 	snop  }
0x6: {  	_ = 	snop  }
0x7: {  	_ = 	snop  }
__scs_overlays_trampoline_lowered:
0x8: {  	[smem:$0x3FAE] =	sst s0  }
0x9: {  	[smem:$0x3FAF] =	sst s1  }
0xa: {  	[smem:$0x3FB0] =	sst s2  }
0xb: {  	[smem:$0x3FB1] =	sst s3  }
0xc: {  	[smem:$0x3FB2] =	sst s4  }
0xd: {  	[smem:$0x3FB3] =	sst s5  }
0xe: {  	[smem:$0x3FB4] =	sst s6  }
0xf: {  	[smem:$0x3FB5] =	sst s7  }
0x10: {  	[smem:$0x3FB6] =	sst s8  }
0x11: {  	[smem:$0x3FB7] =	sst s9;
	s0 =	simm.s32 @!p0 $0x0  }
0x12: {  	s1 =	sld [smem:$0x3F9D];
	s0 =	simm.s32 @p0 $0x1  }
0x13: {  	[smem:$0x3FB8] =	sst s0;
	s0 =	simm.s32 @!p1 $0x0  }
0x14: {  	s2 =	sld [smem:$0x3F9C];
	s0 =	simm.s32 @p1 $0x1  }
0x15: {  	[smem:$0x3FB9] =	sst s0;
	s0 =	simm.s32 @!p2 $0x0  }
0x16: {  	s3 =	sld [smem:$0x3FDB];
	s0 =	simm.s32 @p2 $0x1  }
0x17: {  	s4 =	simm.s32 $0x1BF5;
	[smem:$0x3FBB] =	sst s0  }
0x18: {  	s0 =	sld [smem:$0x3F9E];
	_ =	swait.ge [sflag:s4], $0x0  }
0x19: {  	s7 =	sld [smem:$0x3F9F]  }
0x1a: {  	s8 =	sadd.s32 $0xFFFFE003, lr  }
0x1b: {  	s9 =	sadd.s32 $0xFFFFFEF7, lr;
	s5 =	simm.s32 $0xFFFFFFFF;
	p2 =	slt.u32 s8, $0xFFFFF086  }
0x1c: {  	p1 =	slt.u32 s9, $0xF7A;
	s5 =	simm.s32 @!p2 $0x0  }
0x1d: {  	s5 =	simm.s32 @p1 $0x1;
	p0 =	seq.s32 s7, s2  }
0x1e: {  	s7 =	smul.u32 @!p0 $0xF7A, s2;
	p2 =	seq.s32 @!p0 s5, $0x0  }
0x1f: {  	s9 =	smul.u32 $0xF7A, s1;
	s8 =	simm.s32 @!p0 $0x1BF5;
	p2 =	por !p2, p0  }
0x20: {  	[sflag:s8] =	ssyncset.s32 @!p0 $0xFFFFF086;
	s6 =	sadd.s32 @!p0 s3, s7;
	s7 =	simm.s32 @!p0 $0x108  }
0x21: {  	s3 =	sadd.s32 s3, s9;
	s6 =	sadd.s32 @!p0 $0x88, s6;
	s7 =	simm.s32 @p2 $0x1082  }
0x22: {  	[simem:s7], [sflag:s8] =	dma.local @!p0 [hbm:s6], $0xF7A  }
0x23: {  	s9 =	sor.u32 $0xD0000000, s2;
	s6 =	simm.s32 $0x108;
	_ =	swait.ge @!p0 [sflag:s8], $0x0  }
0x24: {  	s3 =	sadd.s32 $0x88, s3;
	s6 =	simm.s32 @!p1 $0x1082;
	[sflag:s4] =	ssyncset.s32 $0xFFFFF086  }
0x25: {  	[simem:s6], [sflag:s4] =	dma.local [hbm:s3], $0xF7A  }
0x26: {  	[smem:$0x3F9F] =	sst s1;
	(tag) =	ssettag s2;
	_ =	strace s9  }
0x27: {  	s1 =	sld [smem:$0x3FAF]  }
0x28: {  	s2 =	sld [smem:$0x3FB0]  }
0x29: {  	s4 =	sld [smem:$0x3FB2]  }
0x2a: {  	p0 =	seq.s32 s5, $0x0;
	s5 =	sld [smem:$0x3FB3]  }
0x2b: {  	s6 =	sld [smem:$0x3FB4]  }
0x2c: {  	s7 =	sld [smem:$0x3FB5]  }
0x2d: {  	s3 =	simm.s32 $0x108;
	s8 =	sld [smem:$0x3FB6]  }
0x2e: {  	s3 =	simm.s32 @!p0 $0x1082;
	s9 =	sld [smem:$0x3FB7]  }
0x2f: {  	lr =	sadd.s32 s0, s3;
	s0 =	sld [smem:$0x3FAE]  }
0x30: {  	s3 =	sld [smem:$0x3FB1]  }
0x31: {  	[smem:$0x3FBA] =	sst s10  }
0x32: {  	s10 =	sld [smem:$0x3FB8];
	_ =	sdelay $0x3  }
0x33: {  	p0 =	seq.s32 s10, $0x1;
	s10 =	sld [smem:$0x3FBA];
	_ =	sdelay $0x3  }
0x34: {  	[smem:$0x3FBA] =	sst s10  }
0x35: {  	s10 =	sld [smem:$0x3FB9];
	_ =	sdelay $0x3  }
0x36: {  	p1 =	seq.s32 s10, $0x1;
	s10 =	sld [smem:$0x3FBA];
	_ =	sdelay $0x3  }
0x37: {  	[smem:$0x3FBA] =	sst s10  }
0x38: {  	s10 =	sld [smem:$0x3FBB]  }
0x39: {  	_ = 	snop;
	(pc) =	sbr.ind lr, $3  }
0x3a: {  	_ = 	snop  }
0x3b: {  	_ = 	snop  }
0x3c: {  	p2 =	seq.s32 s10, $0x1;
	s10 =	sld [smem:$0x3FBA]  }
0x3d: {  	_ =	shalt  }
0x3e: {  	_ =	shalt  }
0x3f: {  	_ =	shalt  }
0x40: {  	_ =	shalt  }
0x41: {  	_ =	shalt  }
0x42: {  	_ =	shalt  }
0x43: {  	_ =	shalt  }
0x44: {  	_ =	shalt  }
0x45: {  	_ =	shalt  }
0x46: {  	_ =	shalt  }
0x47: {  	_ =	shalt  }
0x48: {  	_ =	shalt  }
0x49: {  	_ =	shalt  }
0x4a: {  	_ =	shalt  }
0x4b: {  	_ =	shalt  }
0x4c: {  	_ =	shalt  }
0x4d: {  	_ =	shalt  }
0x4e: {  	_ =	shalt  }
0x4f: {  	_ =	shalt  }
0x50: {  	_ =	shalt  }
0x51: {  	_ =	shalt  }
0x52: {  	_ =	shalt  }
0x53: {  	_ =	shalt  }
0x54: {  	_ =	shalt  }
0x55: {  	_ =	shalt  }
0x56: {  	_ =	shalt  }
0x57: {  	_ =	shalt  }
0x58: {  	_ =	shalt  }
0x59: {  	_ =	shalt  }
0x5a: {  	_ =	shalt  }
0x5b: {  	_ =	shalt  }
0x5c: {  	_ =	shalt  }
0x5d: {  	_ =	shalt  }
0x5e: {  	_ =	shalt  }
0x5f: {  	_ =	shalt  }
0x60: {  	_ =	shalt  }
0x61: {  	_ =	shalt  }
0x62: {  	_ =	shalt  }
0x63: {  	_ =	shalt  }
0x64: {  	_ =	shalt  }
0x65: {  	_ =	shalt  }
0x66: {  	_ =	shalt  }
0x67: {  	_ =	shalt  }
0x68: {  	_ =	shalt  }
0x69: {  	_ =	shalt  }
0x6a: {  	_ =	shalt  }
0x6b: {  	_ =	shalt  }
0x6c: {  	_ =	shalt  }
0x6d: {  	_ =	shalt  }
0x6e: {  	_ =	shalt  }
0x6f: {  	_ =	shalt  }
0x70: {  	_ =	shalt  }
0x71: {  	_ =	shalt  }
0x72: {  	_ =	shalt  }
0x73: {  	_ =	shalt  }
0x74: {  	_ =	shalt  }
0x75: {  	_ =	shalt  }
0x76: {  	_ =	shalt  }
0x77: {  	_ =	shalt  }
0x78: {  	_ =	shalt  }
0x79: {  	_ =	shalt  }
0x7a: {  	_ =	shalt  }
0x7b: {  	_ =	shalt  }
0x7c: {  	_ =	shalt  }
0x7d: {  	_ =	shalt  }
0x7e: {  	_ =	shalt  }
0x7f: {  	_ =	shalt  }
0x80: {  	_ =	shalt  }
0x81: {  	_ =	shalt  }
0x82: {  	_ =	shalt  }
0x83: {  	_ =	shalt  }
0x84: {  	_ =	shalt  }
0x85: {  	_ =	shalt  }
0x86: {  	_ =	shalt  }
0x87: {  	_ =	shalt  }
.Lfunc_end0:
.L_simem_size_0:
called_computation_lowered:
.L_overlay_start_0:
0x88: {  	s2 =	sld [smem:$0x3FD9]  }
0x89: {  	s3 =	sld [smem:$0x3FFE];
	_ =	sdelay $0x1  }
0x8a: {  	s1 =	srdreg.scid  }
0x8b: {  	s0 =	sand.u32 $0x1, s1  }
0x8c: {  	s18 =	sshll.u32 s0, $0xA;
	s2 =	sadd.s32 s3, s2  }
0x8d: {  	s2 =	sadd.s32 s2, s18  }
0x8e: {  	[smem:$0x3FC6] =	sst s2  }
0x8f: {  	_ = 	snop  }
0x90: {  	s2 =	sld [smem:$0x3FC9]  }
0x91: {  	s19 =	sld [smem:$0x3FC8]  }
0x92: {  	s4 =	sld [smem:$0x3FD0];
	(tm) =	ssettm $0x1  }
0x93: {  	s5 =	sld [smem:$0x3FFB];
	_ =	sdelay $0x3  }
0x94: {  	_ =	strace s5  }
0x95: {  	s5 =	sld [smem:$0x3FFC];
	_ =	sdelay $0x3  }
0x96: {  	_ =	strace s5  }
0x97: {  	s5 =	sld [smem:$0x3FFD];
	_ =	sdelay $0x3  }
0x98: {  	_ =	strace s5  }
0x99: {  	_ =	strace $0x8FFFFFFF  }
0x9a: {  	s20 =	sld [smem:$0x3FDB];
	_ =	sdelay $0x1  }
0x9b: {  	s6 =	simm.s32 $_scs_section_size  }
0x9c: {  	s7 =	simm.s32 $_size__tile_overlayer_lowered;
	s8 =	simm.s32 $_tile_overlayer_lowered  }
0x9d: {  	s23 =	simm.s32 $0x1BFF;
	s22 =	sshll.u32 s8, $0x1;
	s5 =	sadd.s32 s6, s20  }
0x9e: {  	s9 =	simm.s32 $0x0;
	s21 =	sshll.u32 s7, $0x1;
	s7 =	sadd.s32 s22, s5  }
0x9f: {  	[timem:s9], [sflag:s23] =	dma.local [hbm:s7], s21  }
0xa0: {  	_ =	swait.ge [sflag:s23], s21  }
0xa1: {  	s6 =	ssub.s32 $0x0, s21;
	[sflag:s23] =	ssyncset.done $0x0  }
0xa2: {  	[sflag:s23] =	ssyncadd.s32 s6;
	_ =	sdelay $0x1  }
0xa3: {  	s24 =	simm.s32 $0x1B8B  }
0xa4: {  	_ =	swait.ge [sflag:s24], $0x1  }
0xa5: {  	[sflag:s24] =	ssyncset.done $0x0  }
0xa6: {  	s25 =	simm.s32 $0x1B8E;
	[sflag:s24] =	ssyncadd.s32 $0xFFFFFFFF  }
0xa7: {  	s26 =	simm.s32 $execute0_lowered;
	[smem:$0x3FD2] =	sst s25  }
0xa8: {  	s6 =	sshll.u32 s26, $0x1;
	_ =	strace $0x80000046;
	[dreg:$0x1] =	wrdreg $0xFFFFFFFF  }
0xa9: {  	s28 =	simm.s32 $_size_execute0_lowered;
	s5 =	sadd.s32 s5, s6;
	[dreg:$0x0] =	wrdreg $0x0  }
0xaa: {  	s6 =	sshll.u32 s28, $0x1;
	[dreg:$0x2] =	wrdreg s5  }
0xab: {  	[dreg:$0x3] =	wrdreg s6  }
0xac: {  	[dreg:$0x4] =	wrdreg $0xC0  }
0xad: {  	_ =	task [dreg:s9], $0x5FFFF  }
0xae: {  	[dreg:$0x1] =	wrdreg $0xFFFFFFFF  }
0xaf: {  	[dreg:$0x0] =	wrdreg $0x60  }
0xb0: {  	[dreg:$0x2] =	wrdreg s2  }
0xb1: {  	[dreg:$0x3] =	wrdreg s19  }
0xb2: {  	[dreg:$0x4] =	wrdreg s4  }
0xb3: {  	[dreg:$0x5] =	wrdreg $0x102000  }
0xb4: {  	[dreg:$0x6] =	wrdreg $0x9  }
0xb5: {  	_ =	task.clear_ibuf [dreg:s9], $0x7FFFF;
	_ =	strace $0x90000046  }
0xb6: {  	s29 =	simm.s32 $0x9;
	_ =	strace $0x80000048  }
0xb7: {  	_ =	swait.ge [sflag:s29], $0x1  }
0xb8: {  	[sflag:s29] =	ssyncadd.s32 $0xFFFFFFFF  }
0xb9: {  	_ =	strace $0x90000048  }
0xba: {  	_ =	sfence  }
0xbb: {  	s30 =	sld [smem:$0x0];
	_ =	sdelay $0x2  }
0xbc: {  	s31 =	sshll.u32 s1, $0xD;
	s1 =	sshrl.u32 s1, $0x2  }
0xbd: {  	s3 =	sand.u32 $0x4000, s31;
	s1 =	sadd.s32 s1, s30  }
0xbe: {  	s0 =	sor.u32 s3, s0;
	s1 =	sshll.u32 s1, $0x11  }
0xbf: {  	s0 =	sor.u32 s1, s0  }
0xc0: {  	s0 =	sadd.s32 $0x8F2B, s0  }
0xc1: {  	[sflag:s0] =	ssyncadd.remote.s32 $0x1  }
0xc2: {  	_ =	sfence.sel $0xFFFF  }
0xc3: {  	[dreg:$0x0] =	wrdreg $0xFFFFFFFF;
	(pc) =	sbr.abs _section_cstart, $3  }
0xc4: {  	[dreg:$0x1] =	wrdreg $0xFFFFFFFF  }
0xc5: {  	_ =	task.clear_ibuf [dreg:s9], $0x2FFFF;
	_ =	strace $0x9FFFFFFF  }
0xc6: {  	(tm) =	ssettm $0x7FFFFFFF  }
0xc7: {  	_ =	shalt  }
tec
execute0_lowered:
.L_overlay_start_1:
0x0: {  	(tag) =	ssettag $0x1  }
0x1: {  	s1 =	rddreg [dreg:$0x0]  }
0x2: {  	s4 =	rddreg [dreg:$0x1]  }
0x3: {  	s5 =	rddreg [dreg:$0x2]  }
0x4: {  	s2 =	rddreg [dreg:$0x3];
	s3 =	simm.s32 $0x0  }
0x5: {  	s0 =	srdreg.scid;
	[smem:$0x7FF] =	sst s3;
	s25 =	sadd.s32 $0x3C00, s4  }
0x6: {  	s14 =	simm.s32 $0x80;
	_ =	strace $0x80000047;
	[dreg:$0x7] =	wrdreg s25  }
0x7: {  	s9 =	stileid.u32;
	s15 =	simm.s32 $0xC0;
	[dreg:$0x14] =	wrdreg s14  }
0x8: {  	s16 =	simm.s32 $0x100;
	s17 =	simm.s32 $0x140;
	[dreg:$0x15] =	wrdreg s15  }
0x9: {  	s18 =	simm.s32 $0x180;
	s19 =	simm.s32 $0x1C0;
	[dreg:$0x16] =	wrdreg s16  }
0xa: {  	s22 =	simm.s32 $0x1F0;
	s20 =	sand.u32 $0x1, s0;
	[dreg:$0x17] =	wrdreg s17  }
0xb: {  	s6 =	sshll.u32 s9, $0xA;
	s7 =	sshll.u32 s20, $0x9;
	[dreg:$0x18] =	wrdreg s18  }
0xc: {  	s23 =	sadd.s32 s4, s6;
	[dreg:$0x19] =	wrdreg s19;
	s7 =	sor.u32 s7, s6  }
0xd: {  	[dreg:$0x1a] =	wrdreg s22;
	s8 =	sshrl.u32 s7, $0x3;
	s24 =	sshll.u32 s7, $0x4  }
0xe: {  	[dreg:$0x6] =	wrdreg s23;
	s1 =	sadd.s32 s1, s8;
	s0 =	sadd.s32 s5, s24  }
0xf: {  	[dreg:$0x5] =	wrdreg s1;
	s26 =	sadd.s32 $0x100, s0  }
0x10: {  	s4 =	sadd.s32 $0x400, s0;
	[dreg:$0x8] =	wrdreg s26  }
0x11: {  	s5 =	sadd.s32 $0x800, s0;
	[dreg:$0x9] =	wrdreg s4  }
0x12: {  	s6 =	sadd.s32 $0xC00, s0;
	[dreg:$0xa] =	wrdreg s5  }
0x13: {  	s7 =	sadd.s32 $0x1000, s0;
	[dreg:$0xb] =	wrdreg s6  }
0x14: {  	s8 =	sadd.s32 $0x1400, s0;
	[dreg:$0xc] =	wrdreg s7  }
0x15: {  	s11 =	sadd.s32 $0x1800, s0;
	[dreg:$0xd] =	wrdreg s8  }
0x16: {  	s12 =	sadd.s32 $0x1C00, s0;
	[dreg:$0xe] =	wrdreg s11  }
0x17: {  	s13 =	sadd.s32 $0x1F00, s0;
	[dreg:$0xf] =	wrdreg s12  }
0x18: {  	s10 =	sshll.u32 s9, $0xD;
	[dreg:$0x10] =	wrdreg s13  }
0x19: {  	p0 =	seq.s32 s9, $0xF;
	s6 =	sadd.s32 $0x1E000, s2;
	s21 =	rddreg [dreg:$0x5]  }
0x1a: {  	s8 =	rddreg [dreg:$0x7];
	s1 =	sshrl.u32 @p0 s6, $0x3;
	s6 =	sshll.u32 @!p0 s9, $0x6  }
0x1b: {  	[tilespmem:s3], [sflag:$0xB] =	stream.linear.gather [hbm4b:s21+s3], $0x200, $0x38;
	[tilespmem:$0x12140] =	vst v63  }
0x1c: {  	s5 =	sadd.s32 s10, s2;
	[dreg:$0x13] =	wrdreg s1;
	s1 =	sor.u32 @!p0 $0x1C0C, s6  }
0x1d: {  	[dreg:$0x11] =	wrdreg s1;
	s1 =	sshrl.u32 @!p0 s5, $0x3  }
0x1e: {  	[dreg:$0x12] =	wrdreg s1  }
0x1f: {  	s4 =	simm.s32 @p0 $0x1FCC;
	s6 =	simm.s32 @p0 $0xC;
	s1 =	rddreg [dreg:$0x13]  }
0x20: {  	[spmem:s1], [sflag:s4] =	dma.local @p0 [hbm:s8], $0x280  }
0x21: {  	_ =	swait.ge @p0 [sflag:s6], $0x280  }
0x22: {  	s1 =	rddreg [dreg:$0x12]  }
0x23: {  	s8 =	rddreg [dreg:$0x6];
	[sflag:s6] =	ssyncset.done @p0 $0x0  }
0x24: {  	s7 =	simm.s32 @!p0 $0xC;
	s9 =	rddreg [dreg:$0x11];
	[sflag:s6] =	ssyncadd.s32 @p0 $0xFFFFFD80  }
0x25: {  	[spmem:s1], [sflag:s9] =	dma.local @!p0 [hbm:s8], $0x400  }
0x26: {  	_ =	swait.ge @!p0 [sflag:s7], $0x400  }
0x27: {  	[sflag:s7] =	ssyncset.done @!p0 $0x0  }
0x28: {  	[sflag:s7] =	ssyncadd.s32 @!p0 $0xFFFFFC00  }
0x29: {  	s8 =	simm.s32 $0xB;
	[bflag:$0x0] =	sbarrier.arrive $0xFFFF  }
0x2a: {  	_ =	swait.ge [sflag:s8], $0x200  }
0x2b: {  	[sflag:s8] =	ssyncset.done $0x0  }
0x2c: {  	s4 =	simm.s32 $0x200;
	s9 =	simm.s32 $0x10;
	[sflag:s8] =	ssyncadd.s32 $0xFFFFFE00  }
0x2d: {  	[tilespmem:s4], [sflag:$0x1] =	stream.indirect.gather [spmem:s2], $0x80, s3, s9, $0xb8;
	[tilespmem:$0x12140] =	vst v63  }
0x2e: {  	s23 =	simm.s32 $0x30;
	s10 =	simm.s32 $0xA00  }
0x2f: {  	[tilespmem:s10], [sflag:$0x2] =	stream.indirect.gather [spmem:s2], $0x80, s9, s23, $0xb8;
	[tilespmem:$0x12140] =	vst v63  }
0x30: {  	s13 =	simm.s32 $0x40;
	s12 =	simm.s32 $0x2200  }
0x31: {  	[tilespmem:s12], [sflag:$0x3] =	stream.indirect.gather [spmem:s2], $0x80, s13, s13, $0xb8;
	[tilespmem:$0x12140] =	vst v63  }
0x32: {  	s14 =	simm.s32 $0x4200;
	s24 =	rddreg [dreg:$0x14]  }
0x33: {  	[tilespmem:s14], [sflag:$0x4] =	stream.indirect.gather [spmem:s2], $0x80, s24, s13, $0xb8;
	[tilespmem:$0x12140] =	vst v63  }
0x34: {  	s15 =	simm.s32 $0x6200;
	s17 =	rddreg [dreg:$0x15]  }
0x35: {  	[tilespmem:s15], [sflag:$0x5] =	stream.indirect.gather [spmem:s2], $0x80, s17, s13, $0xb8;
	[tilespmem:$0x12140] =	vst v63  }
0x36: {  	s16 =	simm.s32 $0x8200;
	s25 =	rddreg [dreg:$0x16]  }
0x37: {  	[tilespmem:s16], [sflag:$0x6] =	stream.indirect.gather [spmem:s2], $0x80, s25, s13, $0xb8;
	[tilespmem:$0x12140] =	vst v63  }
0x38: {  	s19 =	rddreg [dreg:$0x17];
	s17 =	simm.s32 $0xA200  }
0x39: {  	[tilespmem:s17], [sflag:$0x7] =	stream.indirect.gather [spmem:s2], $0x80, s19, s13, $0xb8;
	[tilespmem:$0x12140] =	vst v63  }
0x3a: {  	s18 =	simm.s32 $0xC200;
	s26 =	rddreg [dreg:$0x18]  }
0x3b: {  	[tilespmem:s18], [sflag:$0x8] =	stream.indirect.gather [spmem:s2], $0x80, s26, s13, $0xb8;
	[tilespmem:$0x12140] =	vst v63  }
0x3c: {  	s21 =	rddreg [dreg:$0x19];
	s19 =	simm.s32 $0xE200  }
0x3d: {  	[tilespmem:s19], [sflag:$0x9] =	stream.indirect.gather [spmem:s2], $0x80, s21, s23, $0xb8;
	[tilespmem:$0x12140] =	vst v63  }
0x3e: {  	s22 =	simm.s32 $0x1;
	s11 =	rddreg [dreg:$0x1a];
	s21 =	simm.s32 $0xFA00  }
0x3f: {  	[tilespmem:s21], [sflag:$0xA] =	stream.indirect.gather [spmem:s2], $0x80, s11, s9, $0xb8;
	[tilespmem:$0x12140] =	vst v63  }
0x40: {  	_ =	swait.ge [sflag:s22], $0x800  }
0x41: {  	[sflag:s22] =	ssyncset.done $0x0  }
0x42: {  	s23 =	simm.s32 $0x2;
	[sflag:s22] =	ssyncadd.s32 $0xFFFFF800  }
0x43: {  	[hbm4b:s0+s3] =	stream.linear.scatter [tilespmem:s4], [sflag:$0xB], $0x800, $0x38;
	[tilespmem:$0x12140] =	vst v63  }
0x44: {  	_ =	swait.ge [sflag:s23], $0x1800  }
0x45: {  	[sflag:s23] =	ssyncset.done $0x0  }
0x46: {  	s24 =	simm.s32 $0x3;
	s4 =	rddreg [dreg:$0x8];
	[sflag:s23] =	ssyncadd.s32 $0xFFFFE800  }
0x47: {  	[hbm4b:s4+s3] =	stream.linear.scatter [tilespmem:s10], [sflag:$0xB], $0x1800, $0x38;
	[tilespmem:$0x12140] =	vst v63  }
0x48: {  	_ =	swait.ge [sflag:s24], $0x2000  }
0x49: {  	[sflag:s24] =	ssyncset.done $0x0  }
0x4a: {  	s25 =	simm.s32 $0x4;
	s10 =	rddreg [dreg:$0x9];
	[sflag:s24] =	ssyncadd.s32 $0xFFFFE000  }
0x4b: {  	[hbm4b:s10+s3] =	stream.linear.scatter [tilespmem:s12], [sflag:$0xB], $0x2000, $0x38;
	[tilespmem:$0x12140] =	vst v63  }
0x4c: {  	_ =	swait.ge [sflag:s25], $0x2000  }
0x4d: {  	[sflag:s25] =	ssyncset.done $0x0  }
0x4e: {  	s26 =	simm.s32 $0x5;
	s12 =	rddreg [dreg:$0xa];
	[sflag:s25] =	ssyncadd.s32 $0xFFFFE000  }
0x4f: {  	[hbm4b:s12+s3] =	stream.linear.scatter [tilespmem:s14], [sflag:$0xB], $0x2000, $0x38;
	[tilespmem:$0x12140] =	vst v63  }
0x50: {  	_ =	swait.ge [sflag:s26], $0x2000  }
0x51: {  	[sflag:s26] =	ssyncset.done $0x0  }
0x52: {  	s28 =	simm.s32 $0x6;
	s14 =	rddreg [dreg:$0xb];
	[sflag:s26] =	ssyncadd.s32 $0xFFFFE000  }
0x53: {  	[hbm4b:s14+s3] =	stream.linear.scatter [tilespmem:s15], [sflag:$0xB], $0x2000, $0x38;
	[tilespmem:$0x12140] =	vst v63  }
0x54: {  	_ =	swait.ge [sflag:s28], $0x2000  }
0x55: {  	[sflag:s28] =	ssyncset.done $0x0  }
0x56: {  	s29 =	simm.s32 $0x7;
	s15 =	rddreg [dreg:$0xc];
	[sflag:s28] =	ssyncadd.s32 $0xFFFFE000  }
0x57: {  	[hbm4b:s15+s3] =	stream.linear.scatter [tilespmem:s16], [sflag:$0xB], $0x2000, $0x38;
	[tilespmem:$0x12140] =	vst v63  }
0x58: {  	_ =	swait.ge [sflag:s29], $0x2000  }
0x59: {  	[sflag:s29] =	ssyncset.done $0x0  }
0x5a: {  	s30 =	simm.s32 $0x8;
	s16 =	rddreg [dreg:$0xd];
	[sflag:s29] =	ssyncadd.s32 $0xFFFFE000  }
0x5b: {  	[hbm4b:s16+s3] =	stream.linear.scatter [tilespmem:s17], [sflag:$0xB], $0x2000, $0x38;
	[tilespmem:$0x12140] =	vst v63  }
0x5c: {  	_ =	swait.ge [sflag:s30], $0x2000  }
0x5d: {  	[sflag:s30] =	ssyncset.done $0x0  }
0x5e: {  	s31 =	simm.s32 $0x9;
	s17 =	rddreg [dreg:$0xe];
	[sflag:s30] =	ssyncadd.s32 $0xFFFFE000  }
0x5f: {  	[hbm4b:s17+s3] =	stream.linear.scatter [tilespmem:s18], [sflag:$0xB], $0x2000, $0x38;
	[tilespmem:$0x12140] =	vst v63  }
0x60: {  	_ =	swait.ge [sflag:s31], $0x1800  }
0x61: {  	[sflag:s31] =	ssyncset.done $0x0  }
0x62: {  	s1 =	simm.s32 $0xA;
	s18 =	rddreg [dreg:$0xf];
	[sflag:s31] =	ssyncadd.s32 $0xFFFFE800  }
0x63: {  	[hbm4b:s18+s3] =	stream.linear.scatter [tilespmem:s19], [sflag:$0xB], $0x1800, $0x38;
	[tilespmem:$0x12140] =	vst v63  }
0x64: {  	_ =	swait.ge [sflag:s1], $0x800  }
0x65: {  	[sflag:s1] =	ssyncset.done $0x0  }
0x66: {  	s19 =	rddreg [dreg:$0x10];
	[sflag:s1] =	ssyncadd.s32 $0xFFFFF800  }
0x67: {  	[hbm4b:s19+s3] =	stream.linear.scatter [tilespmem:s21], [sflag:$0xB], $0x800, $0x38;
	[tilespmem:$0x12140] =	vst v63  }
0x68: {  	_ =	swait.ge [sflag:s8], $0x800  }
0x69: {  	[sflag:s8] =	ssyncset.done $0x0  }
0x6a: {  	[sflag:s8] =	ssyncadd.s32 $0xFFFFF800  }
0x6b: {  	_ =	swait.ge [sflag:s8], $0x1800  }
0x6c: {  	[sflag:s8] =	ssyncset.done $0x0  }
0x6d: {  	[sflag:s8] =	ssyncadd.s32 $0xFFFFE800  }
0x6e: {  	_ =	swait.ge [sflag:s8], $0x2000  }
0x6f: {  	[sflag:s8] =	ssyncset.done $0x0  }
0x70: {  	[sflag:s8] =	ssyncadd.s32 $0xFFFFE000  }
0x71: {  	_ =	swait.ge [sflag:s8], $0x2000  }
0x72: {  	[sflag:s8] =	ssyncset.done $0x0  }
0x73: {  	[sflag:s8] =	ssyncadd.s32 $0xFFFFE000  }
0x74: {  	_ =	swait.ge [sflag:s8], $0x2000  }
0x75: {  	[sflag:s8] =	ssyncset.done $0x0  }
0x76: {  	[sflag:s8] =	ssyncadd.s32 $0xFFFFE000  }
0x77: {  	_ =	swait.ge [sflag:s8], $0x2000  }
0x78: {  	s20 =	ssub.s32 $0x2, s20;
	[sflag:s8] =	ssyncset.done $0x0  }
0x79: {  	s21 =	sshrl.u32 s20, $0x1;
	[sflag:s8] =	ssyncadd.s32 $0xFFFFE000  }
0x7a: {  	s11 =	smov.u32 s0;
	s0 =	ssub.s32 s20, s21;
	_ =	swait.ge [sflag:s8], $0x2000  }
0x7b: {  	s0 =	smax.u32 s0, $0x1;
	[sflag:s8] =	ssyncset.done $0x0  }
0x7c: {  	s0 =	sadd.s32 $0xFFFFFFFF, s0;
	[sflag:s8] =	ssyncadd.s32 $0xFFFFE000  }
0x7d: {  	p1 =	sne.s32 s0, $0x0;
	_ =	swait.ge [sflag:s8], $0x2000  }
.Ltmp0:
0x7e: {  	[sflag:s8] =	ssyncset.done $0x0;
	(pc) =	sbr.rel @!p1 .LBB2_3-.Ltmp0, $4  }
0x7f: {  	[sflag:s8] =	ssyncadd.s32 $0xFFFFE000  }
0x80: {  	_ =	swait.ge [sflag:s8], $0x1800  }
0x81: {  	[sflag:s8] =	ssyncset.done $0x0  }
0x82: {  	[sflag:s8] =	ssyncadd.s32 $0xFFFFE800  }
0x83: {  	s12 =	simm.s32 $0x200;
	s14 =	simm.s32 $0x30;
	s15 =	simm.s32 $0xA00  }
0x84: {  	s16 =	simm.s32 $0x2200;
	s17 =	simm.s32 $0x4200;
	s18 =	simm.s32 $0x6200  }
0x85: {  	s19 =	simm.s32 $0x8200;
	s20 =	simm.s32 $0xA200;
	s21 =	simm.s32 $0xC200  }
.LBB2_2:
0x86: {  	_ =	swait.ge [sflag:s8], $0x800  }
0x87: {  	s5 =	rddreg [dreg:$0x13];
	[sflag:s8] =	ssyncset.done $0x0  }
0x88: {  	s4 =	rddreg [dreg:$0x5];
	[sflag:s8] =	ssyncadd.s32 $0xFFFFF800  }
0x89: {  	[tilespmem:s3], [sflag:$0xB] =	stream.linear.gather [hbm4b:s4+s3], $0x200, $0x38;
	[tilespmem:$0x12140] =	vst v63  }
0x8a: {  	s10 =	rddreg [dreg:$0x7];
	s4 =	simm.s32 @p0 $0x1FCC  }
0x8b: {  	[spmem:s5], [sflag:s4] =	dma.local @p0 [hbm:s10], $0x280  }
0x8c: {  	_ =	swait.ge @p0 [sflag:s6], $0x280  }
0x8d: {  	s4 =	rddreg [dreg:$0x12]  }
0x8e: {  	[sflag:s6] =	ssyncset.done @p0 $0x0;
	s5 =	rddreg [dreg:$0x6]  }
0x8f: {  	s10 =	rddreg [dreg:$0x11];
	[sflag:s6] =	ssyncadd.s32 @p0 $0xFFFFFD80  }
0x90: {  	[spmem:s4], [sflag:s10] =	dma.local @!p0 [hbm:s5], $0x400  }
0x91: {  	_ =	swait.ge @!p0 [sflag:s7], $0x400  }
0x92: {  	[sflag:s7] =	ssyncset.done @!p0 $0x0  }
0x93: {  	[sflag:s7] =	ssyncadd.s32 @!p0 $0xFFFFFC00  }
0x94: {  	[bflag:$0x0] =	sbarrier.arrive $0xFFFF  }
0x95: {  	_ =	swait.ge [sflag:s8], $0x200  }
0x96: {  	[sflag:s8] =	ssyncset.done $0x0  }
0x97: {  	[sflag:s8] =	ssyncadd.s32 $0xFFFFFE00  }
0x98: {  	[tilespmem:s12], [sflag:$0x1] =	stream.indirect.gather [spmem:s2], $0x80, s3, s9, $0xb8;
	[tilespmem:$0x12140] =	vst v63  }
0x99: {  	_ = 	snop  }
0x9a: {  	[tilespmem:s15], [sflag:$0x2] =	stream.indirect.gather [spmem:s2], $0x80, s9, s14, $0xb8;
	[tilespmem:$0x12140] =	vst v63  }
0x9b: {  	_ = 	snop  }
0x9c: {  	[tilespmem:s16], [sflag:$0x3] =	stream.indirect.gather [spmem:s2], $0x80, s13, s13, $0xb8;
	[tilespmem:$0x12140] =	vst v63  }
0x9d: {  	s4 =	rddreg [dreg:$0x14]  }
0x9e: {  	[tilespmem:s17], [sflag:$0x4] =	stream.indirect.gather [spmem:s2], $0x80, s4, s13, $0xb8;
	[tilespmem:$0x12140] =	vst v63  }
0x9f: {  	s5 =	rddreg [dreg:$0x15]  }
0xa0: {  	[tilespmem:s18], [sflag:$0x5] =	stream.indirect.gather [spmem:s2], $0x80, s5, s13, $0xb8;
	[tilespmem:$0x12140] =	vst v63  }
0xa1: {  	s10 =	rddreg [dreg:$0x16]  }
0xa2: {  	[tilespmem:s19], [sflag:$0x6] =	stream.indirect.gather [spmem:s2], $0x80, s10, s13, $0xb8;
	[tilespmem:$0x12140] =	vst v63  }
0xa3: {  	s4 =	rddreg [dreg:$0x17]  }
0xa4: {  	[tilespmem:s20], [sflag:$0x7] =	stream.indirect.gather [spmem:s2], $0x80, s4, s13, $0xb8;
	[tilespmem:$0x12140] =	vst v63  }
0xa5: {  	s5 =	rddreg [dreg:$0x18]  }
0xa6: {  	[tilespmem:s21], [sflag:$0x8] =	stream.indirect.gather [spmem:s2], $0x80, s5, s13, $0xb8;
	[tilespmem:$0x12140] =	vst v63  }
0xa7: {  	s10 =	rddreg [dreg:$0x19];
	s5 =	simm.s32 $0xE200  }
0xa8: {  	[tilespmem:s5], [sflag:$0x9] =	stream.indirect.gather [spmem:s2], $0x80, s10, s14, $0xb8;
	[tilespmem:$0x12140] =	vst v63  }
0xa9: {  	s4 =	rddreg [dreg:$0x1a];
	s10 =	simm.s32 $0xFA00  }
0xaa: {  	[tilespmem:s10], [sflag:$0xA] =	stream.indirect.gather [spmem:s2], $0x80, s4, s9, $0xb8;
	[tilespmem:$0x12140] =	vst v63  }
0xab: {  	_ =	swait.ge [sflag:s22], $0x800  }
0xac: {  	[sflag:s22] =	ssyncset.done $0x0  }
0xad: {  	[sflag:s22] =	ssyncadd.s32 $0xFFFFF800  }
0xae: {  	[hbm4b:s11+s3] =	stream.linear.scatter [tilespmem:s12], [sflag:$0xB], $0x800, $0x38;
	[tilespmem:$0x12140] =	vst v63  }
0xaf: {  	_ =	swait.ge [sflag:s23], $0x1800  }
0xb0: {  	[sflag:s23] =	ssyncset.done $0x0  }
0xb1: {  	s4 =	rddreg [dreg:$0x8];
	[sflag:s23] =	ssyncadd.s32 $0xFFFFE800  }
0xb2: {  	[hbm4b:s4+s3] =	stream.linear.scatter [tilespmem:s15], [sflag:$0xB], $0x1800, $0x38;
	[tilespmem:$0x12140] =	vst v63  }
0xb3: {  	_ =	swait.ge [sflag:s24], $0x2000  }
0xb4: {  	[sflag:s24] =	ssyncset.done $0x0  }
0xb5: {  	s4 =	rddreg [dreg:$0x9];
	[sflag:s24] =	ssyncadd.s32 $0xFFFFE000  }
0xb6: {  	[hbm4b:s4+s3] =	stream.linear.scatter [tilespmem:s16], [sflag:$0xB], $0x2000, $0x38;
	[tilespmem:$0x12140] =	vst v63  }
0xb7: {  	_ =	swait.ge [sflag:s25], $0x2000  }
0xb8: {  	[sflag:s25] =	ssyncset.done $0x0  }
0xb9: {  	s4 =	rddreg [dreg:$0xa];
	[sflag:s25] =	ssyncadd.s32 $0xFFFFE000  }
0xba: {  	[hbm4b:s4+s3] =	stream.linear.scatter [tilespmem:s17], [sflag:$0xB], $0x2000, $0x38;
	[tilespmem:$0x12140] =	vst v63  }
0xbb: {  	_ =	swait.ge [sflag:s26], $0x2000  }
0xbc: {  	[sflag:s26] =	ssyncset.done $0x0  }
0xbd: {  	s4 =	rddreg [dreg:$0xb];
	[sflag:s26] =	ssyncadd.s32 $0xFFFFE000  }
0xbe: {  	[hbm4b:s4+s3] =	stream.linear.scatter [tilespmem:s18], [sflag:$0xB], $0x2000, $0x38;
	[tilespmem:$0x12140] =	vst v63  }
0xbf: {  	_ =	swait.ge [sflag:s28], $0x2000  }
0xc0: {  	[sflag:s28] =	ssyncset.done $0x0  }
0xc1: {  	s4 =	rddreg [dreg:$0xc];
	[sflag:s28] =	ssyncadd.s32 $0xFFFFE000  }
0xc2: {  	[hbm4b:s4+s3] =	stream.linear.scatter [tilespmem:s19], [sflag:$0xB], $0x2000, $0x38;
	[tilespmem:$0x12140] =	vst v63  }
0xc3: {  	_ =	swait.ge [sflag:s29], $0x2000  }
0xc4: {  	[sflag:s29] =	ssyncset.done $0x0  }
0xc5: {  	s4 =	rddreg [dreg:$0xd];
	[sflag:s29] =	ssyncadd.s32 $0xFFFFE000  }
0xc6: {  	[hbm4b:s4+s3] =	stream.linear.scatter [tilespmem:s20], [sflag:$0xB], $0x2000, $0x38;
	[tilespmem:$0x12140] =	vst v63  }
0xc7: {  	_ =	swait.ge [sflag:s30], $0x2000  }
0xc8: {  	[sflag:s30] =	ssyncset.done $0x0  }
0xc9: {  	s4 =	rddreg [dreg:$0xe];
	[sflag:s30] =	ssyncadd.s32 $0xFFFFE000  }
0xca: {  	[hbm4b:s4+s3] =	stream.linear.scatter [tilespmem:s21], [sflag:$0xB], $0x2000, $0x38;
	[tilespmem:$0x12140] =	vst v63  }
0xcb: {  	_ =	swait.ge [sflag:s31], $0x1800  }
0xcc: {  	[sflag:s31] =	ssyncset.done $0x0  }
0xcd: {  	s4 =	rddreg [dreg:$0xf];
	[sflag:s31] =	ssyncadd.s32 $0xFFFFE800  }
0xce: {  	[hbm4b:s4+s3] =	stream.linear.scatter [tilespmem:s5], [sflag:$0xB], $0x1800, $0x38;
	[tilespmem:$0x12140] =	vst v63  }
0xcf: {  	_ =	swait.ge [sflag:s1], $0x800  }
0xd0: {  	[sflag:s1] =	ssyncset.done $0x0  }
0xd1: {  	s5 =	rddreg [dreg:$0x10];
	[sflag:s1] =	ssyncadd.s32 $0xFFFFF800  }
0xd2: {  	[hbm4b:s5+s3] =	stream.linear.scatter [tilespmem:s10], [sflag:$0xB], $0x800, $0x38;
	[tilespmem:$0x12140] =	vst v63  }
0xd3: {  	_ =	swait.ge [sflag:s8], $0x800  }
0xd4: {  	[sflag:s8] =	ssyncset.done $0x0  }
0xd5: {  	[sflag:s8] =	ssyncadd.s32 $0xFFFFF800  }
0xd6: {  	_ =	swait.ge [sflag:s8], $0x1800  }
0xd7: {  	[sflag:s8] =	ssyncset.done $0x0  }
0xd8: {  	[sflag:s8] =	ssyncadd.s32 $0xFFFFE800  }
0xd9: {  	_ =	swait.ge [sflag:s8], $0x2000  }
0xda: {  	[sflag:s8] =	ssyncset.done $0x0  }
0xdb: {  	[sflag:s8] =	ssyncadd.s32 $0xFFFFE000  }
0xdc: {  	_ =	swait.ge [sflag:s8], $0x2000  }
0xdd: {  	[sflag:s8] =	ssyncset.done $0x0  }
0xde: {  	[sflag:s8] =	ssyncadd.s32 $0xFFFFE000  }
0xdf: {  	_ =	swait.ge [sflag:s8], $0x2000  }
0xe0: {  	[sflag:s8] =	ssyncset.done $0x0  }
0xe1: {  	[sflag:s8] =	ssyncadd.s32 $0xFFFFE000  }
0xe2: {  	_ =	swait.ge [sflag:s8], $0x2000  }
0xe3: {  	[sflag:s8] =	ssyncset.done $0x0  }
0xe4: {  	[sflag:s8] =	ssyncadd.s32 $0xFFFFE000  }
0xe5: {  	_ =	swait.ge [sflag:s8], $0x2000  }
0xe6: {  	[sflag:s8] =	ssyncset.done $0x0  }
0xe7: {  	s0 =	sadd.s32 $0xFFFFFFFF, s0;
	[sflag:s8] =	ssyncadd.s32 $0xFFFFE000  }
0xe8: {  	p1 =	sne.s32 s0, $0x0;
	_ =	swait.ge [sflag:s8], $0x2000  }
.Ltmp1:
0xe9: {  	[sflag:s8] =	ssyncset.done $0x0;
	(pc) =	sbr.rel @p1 .LBB2_2-.Ltmp1, $4  }
0xea: {  	[sflag:s8] =	ssyncadd.s32 $0xFFFFE000  }
0xeb: {  	_ =	swait.ge [sflag:s8], $0x1800  }
0xec: {  	[sflag:s8] =	ssyncset.done $0x0  }
0xed: {  	[sflag:s8] =	ssyncadd.s32 $0xFFFFE800  }
.LBB2_3:
0xee: {  	_ =	swait.ge [sflag:s8], $0x800  }
0xef: {  	[sflag:s8] =	ssyncset.done $0x0  }
0xf0: {  	[sflag:s8] =	ssyncadd.s32 $0xFFFFF800  }
0xf1: {  	_ =	sfence.sel $0x180000  }
0xf2: {  	[bflag:$0x0] =	sbarrier.arrive $0xFFFF  }
0xf3: {  	_ =	strace $0x90000047  }
0xf4: {  	s0 =	stileid.u32;
	[bflag:$0x2] =	sbarrier.arrive $0xFFFF  }
0xf5: {  	p0 =	sne.s32 s0, $0x0;
	s0 =	rddreg [dreg:$0x4]  }
0xf6: {  	s0 =	sadd.s32 @!p0 $0x100000, s0  }
0xf7: {  	[sflag:s0] =	ssyncadd.tile.s32 @!p0 $0x1;
	_ =	shalt  }
.Lfunc_end2:
_tile_overlayer_lowered:
.L_overlay_start_2:
0xf8: {  	(tag) =	ssettag $0x2  }
0xf9: {  	s0 =	rddreg [dreg:$0x0];
	s2 =	stileid.u32  }
0xfa: {  	s1 =	rddreg [dreg:$0x1];
	p0 =	sne.s32 s2, $0x0  }
0xfb: {  	s3 =	rddreg [dreg:$0x2];
	[bflag:$0x3] =	sbarrier.arrive $0xFFFF;
	s2 =	simm.s32 @!p0 $0x1C0C  }
0xfc: {  	[timem:s3], [sflag:s2] =	dma.local @!p0 [hbm:s0], s1  }
0xfd: {  	s0 =	simm.s32 @!p0 $0xC  }
0xfe: {  	_ =	swait.ge @!p0 [sflag:s0], s1  }
0xff: {  	s1 =	ssub.s32 @!p0 $0x0, s1;
	[sflag:s0] =	ssyncset.done @!p0 $0x0  }
0x100: {  	[sflag:s0] =	ssyncadd.s32 @!p0 s1  }
0x101: {  	[bflag:$0x3] =	sbarrier.arrive $0xFFFF  }
0x102: {  	_ =	shalt  }

</sc_bundles>
